<compile_context>
chip_gen: v7x
topology: tpu7x:2x2x1
jax: 0.10.2.dev20260603
libtpu: 0.0.44.dev20260713+nightly
codegen_flags: <defaults>
</compile_context>

<pallas_src>
import functools

import jax
import jax.numpy as jnp
from jax import lax
from jax.experimental import pallas as pl
from jax.experimental.pallas import tpu as pltpu
from jax.experimental.pallas import tpu_sc as plsc

B_TOT = 16384
LSEQ = 200
VOCAB = 1000
VPAD = 1024
EMB = 128
NC = 2
NS = 16
NW = NC * NS
PB = B_TOT // 2
PRW = PB // NW
CH = 16
NCHUNK = PRW // CH
CW = CH * LSEQ
UNROLL = 8


def _scores_body(w_ref, t_ref, o_ref):
    o_ref[...] = lax.dot_general(
        w_ref[...], t_ref[...], (((1,), (1,)), ((), ())),
        preferred_element_type=jnp.float32,
        precision=lax.Precision.HIGHEST,
    )


def _compute_scores(w8, table_pad):
    return pl.pallas_call(
        _scores_body,
        out_shape=jax.ShapeDtypeStruct((8, VPAD), jnp.float32),
    )(w8, table_pad)


def _sc_pool_body(ids_hbm, s01_hbm, out0_hbm, out1_hbm,
                  s01_v, sp_v, ids_a, ids_b, o0lo_v, o1lo_v, o0hi_v, o1hi_v,
                  sem_a, sem_b):
    wid = lax.axis_index("c") * NS + lax.axis_index("s")
    base_word = wid * (PRW * LSEQ)
    pltpu.sync_copy(s01_hbm, s01_v)
    lane_base = lax.iota(jnp.int32, 16) * LSEQ

    def _pk(i, _):
        b0 = plsc.bitcast(s01_v[pl.ds(i * 16, 16)], jnp.int32)
        b1 = plsc.bitcast(s01_v[pl.ds(VPAD + i * 16, 16)], jnp.int32)
        lo16 = lax.shift_right_logical(b0 + 0x8000, 16)
        hi16 = (b1 + 0x8000) & ~0xFFFF
        sp_v[pl.ds(i * 16, 16)] = lo16 | hi16
        return 0

    lax.fori_loop(0, VPAD // 16, _pk, 0)

    def start(g, buf, sem):
        pltpu.async_copy(ids_hbm.at[pl.ds(base_word + g * CW, CW)], buf, sem)

    def wait(buf, sem):
        pltpu.make_async_copy(ids_hbm.at[pl.ds(0, CW)], buf, sem).wait()

    def compute(g, buf):
        def body(l, carry):
            a0lo, a1lo, a0hi, a1hi = carry
            for u in range(UNROLL):
                w = plsc.load_gather(buf, [lane_base + (l * UNROLL + u)])
                ilo = w & 0xFFFF
                ihi = lax.shift_right_logical(w, 16)
                plo = plsc.load_gather(sp_v, [ilo])
                phi = plsc.load_gather(sp_v, [ihi])
                a0lo = a0lo + plsc.bitcast(lax.shift_left(plo, 16), jnp.float32)
                a1lo = a1lo + plsc.bitcast(plo & ~0xFFFF, jnp.float32)
                a0hi = a0hi + plsc.bitcast(lax.shift_left(phi, 16), jnp.float32)
                a1hi = a1hi + plsc.bitcast(phi & ~0xFFFF, jnp.float32)
            return (a0lo, a1lo, a0hi, a1hi)

        zero = jnp.zeros((16,), jnp.float32)
        a0lo, a1lo, a0hi, a1hi = lax.fori_loop(
            0, LSEQ // UNROLL, body, (zero, zero, zero, zero))
        o0lo_v[pl.ds(g * CH, CH)] = a0lo
        o1lo_v[pl.ds(g * CH, CH)] = a1lo
        o0hi_v[pl.ds(g * CH, CH)] = a0hi
        o1hi_v[pl.ds(g * CH, CH)] = a1hi

    start(0, ids_a, sem_a)

    @pl.loop(0, NCHUNK // 2)
    def _pair(h):
        g0 = 2 * h
        start(g0 + 1, ids_b, sem_b)
        wait(ids_a, sem_a)
        compute(g0, ids_a)
        start(jnp.minimum(g0 + 2, NCHUNK - 1), ids_a, sem_a)
        wait(ids_b, sem_b)
        compute(g0 + 1, ids_b)

    wait(ids_a, sem_a)
    lo = wid * PRW
    pltpu.sync_copy(o0lo_v, out0_hbm.at[pl.ds(lo, PRW)])
    pltpu.sync_copy(o1lo_v, out1_hbm.at[pl.ds(lo, PRW)])
    pltpu.sync_copy(o0hi_v, out0_hbm.at[pl.ds(PB + lo, PRW)])
    pltpu.sync_copy(o1hi_v, out1_hbm.at[pl.ds(PB + lo, PRW)])


@functools.cache
def _build_sc_pool():
    return pl.kernel(
        _sc_pool_body,
        out_type=(jax.ShapeDtypeStruct((B_TOT,), jnp.float32),
                  jax.ShapeDtypeStruct((B_TOT,), jnp.float32)),
        mesh=plsc.VectorSubcoreMesh(core_axis_name="c", subcore_axis_name="s",
                                    num_cores=NC, num_subcores=NS),
        compiler_params=pltpu.CompilerParams(needs_layout_passes=False,
                                             use_tc_tiling_on_sc=False),
        scratch_types=[
            pltpu.VMEM((2 * VPAD,), jnp.float32),
            pltpu.VMEM((VPAD,), jnp.int32),
            pltpu.VMEM((CW,), jnp.int32),
            pltpu.VMEM((CW,), jnp.int32),
            pltpu.VMEM((PRW,), jnp.float32),
            pltpu.VMEM((PRW,), jnp.float32),
            pltpu.VMEM((PRW,), jnp.float32),
            pltpu.VMEM((PRW,), jnp.float32),
            pltpu.SemaphoreType.DMA,
            pltpu.SemaphoreType.DMA,
        ],
    )


def _lsm_body(s0_ref, s1_ref, b_ref, o0_ref, o1_ref):
    l0 = s0_ref[...] * (1.0 / LSEQ) + b_ref[0]
    l1 = s1_ref[...] * (1.0 / LSEQ) + b_ref[1]
    m = jnp.maximum(l0, l1)
    lse = m + jnp.log(jnp.exp(l0 - m) + jnp.exp(l1 - m))
    o0_ref[...] = l0 - lse
    o1_ref[...] = l1 - lse


def _log_softmax(sums0, sums1, b):
    return pl.pallas_call(
        _lsm_body,
        in_specs=[
            pl.BlockSpec(memory_space=pltpu.VMEM),
            pl.BlockSpec(memory_space=pltpu.VMEM),
            pl.BlockSpec(memory_space=pltpu.SMEM),
        ],
        out_specs=(pl.BlockSpec(memory_space=pltpu.VMEM),
                   pl.BlockSpec(memory_space=pltpu.VMEM)),
        out_shape=(jax.ShapeDtypeStruct((128, 128), jnp.float32),
                   jax.ShapeDtypeStruct((128, 128), jnp.float32)),
    )(sums0.reshape(128, 128), sums1.reshape(128, 128), b)


def kernel(ids, table, W, b):
    ids32 = ids.astype(jnp.int32)
    ids_pairs = (ids32[:PB] | (ids32[PB:] << 16)).reshape(-1)
    table_pad = jnp.zeros((VPAD, EMB), jnp.float32).at[:VOCAB].set(table)
    w8 = jnp.zeros((8, EMB), jnp.float32).at[:2].set(W)
    s8 = _compute_scores(w8, table_pad)
    s01 = s8[:2].reshape(-1)
    sums0, sums1 = _build_sc_pool()(ids_pairs, s01)
    o0, o1 = _log_softmax(sums0, sums1, b)
    return jnp.stack([o0.reshape(-1), o1.reshape(-1)], axis=-1)

# --- scband reference (transcript-rebuilt; emitter-appended) ---
"""Pipeline reference for scband-n2-g-70153995813440 (READ-ONLY COPY).

The authoritative reference and input builder live on the scoring server;
editing this copy changes nothing except your own understanding.
"""

import jax, jax.numpy as jnp
import numpy as np

B = 16384
L = 200
VOCAB = 1000  # len(vocab2int) + 1 = 999 + 1
E = 128
C = 2

def setup_inputs(seed: int = 0) -> dict:
    key = jax.random.key(seed)
    k1, k2, k3 = jax.random.split(key, 3)
    ids = jax.random.randint(k1, (B, L), 0, 990, dtype=jnp.int64)
    table = jax.random.normal(k2, (VOCAB, E), dtype=jnp.float32) * 0.02
    W = jax.random.normal(k3, (C, E), dtype=jnp.float32) * 0.05
    b = jnp.zeros((C,), dtype=jnp.float32)
    return {"ids": ids, "table": table, "W": W, "b": b}

def reference(ids, table, W, b):
    # x = embed(ids): gather rows of the embedding table  [B, L, E]
    x = jnp.take(table, ids, axis=0)
    # mean over sequence dimension (dim=1)
    x = jnp.mean(x, axis=1)
    # fc: Linear(embed_size, class_num)
    logits = x @ W.T + b
    # log_softmax over classes
    return jax.nn.log_softmax(logits, axis=1)

if __name__ == "__main__":
    import jax
    _d = setup_inputs()
    print(jax.jit(kernel)(*tuple(_d.values())))

</pallas_src>

<mosaic_0001>
#map = affine_map<(d0, d1) -> (0)>
module attributes {stable_mosaic.version = 14 : i64} {
  func.func @_sc_pool_body(%arg0: i32, %arg1: i32, %arg2: memref<1638400xi32, #tpu.memory_space<hbm>>, %arg3: memref<2048xf32, #tpu.memory_space<hbm>>, %arg4: memref<16384xf32, #tpu.memory_space<hbm>>, %arg5: memref<16384xf32, #tpu.memory_space<hbm>>, %arg6: memref<2048xf32, #tpu.memory_space<vmem>>, %arg7: memref<1024xi32, #tpu.memory_space<vmem>>, %arg8: memref<3200xi32, #tpu.memory_space<vmem>>, %arg9: memref<3200xi32, #tpu.memory_space<vmem>>, %arg10: memref<256xf32, #tpu.memory_space<vmem>>, %arg11: memref<256xf32, #tpu.memory_space<vmem>>, %arg12: memref<256xf32, #tpu.memory_space<vmem>>, %arg13: memref<256xf32, #tpu.memory_space<vmem>>, %arg14: memref<!tpu.dma_semaphore, #tpu.memory_space<semaphore_mem>>, %arg15: memref<!tpu.dma_semaphore, #tpu.memory_space<semaphore_mem>>) attributes {dimension_semantics = [#tpu.dimension_semantics<core_parallel>, #tpu.dimension_semantics<subcore_parallel>], iteration_bounds = array<i64: 2, 16>, scalar_prefetch = 0 : i64, scratch_operands = 10 : i64, tpu.core_type = #tpu.core_type<sc_vector_subcore>, window_params = [{transform_indices = #map}, {transform_indices = #map}, {transform_indices = #map}, {transform_indices = #map}]} {
    %mul3A = arith.constant 16 : i32
    %mul3A_0 = arith.muli %arg0, %mul3A : i32
    %add3A = arith.addi %mul3A_0, %arg1 : i32
    %mul3A_1 = arith.constant 51200 : i32
    %mul3A_2 = arith.muli %add3A, %mul3A_1 : i32
    "tpu.region"() ({
      %run_scoped3A = tpu.sem_alloc : memref<!tpu.dma_semaphore, #tpu.memory_space<semaphore_mem>>
      tpu.enqueue_dma source(%arg3 : memref<2048xf32, #tpu.memory_space<hbm>>) target(%arg6 : memref<2048xf32, #tpu.memory_space<vmem>>) target_semaphore(%run_scoped3A : memref<!tpu.dma_semaphore, #tpu.memory_space<semaphore_mem>>)
      tpu.wait_dma2 semaphore(%run_scoped3A : memref<!tpu.dma_semaphore, #tpu.memory_space<semaphore_mem>>) src(%arg3 : memref<2048xf32, #tpu.memory_space<hbm>>) dst(%arg6 : memref<2048xf32, #tpu.memory_space<vmem>>)
      tpu.yield
    }) : () -> ()
    %iota3A = tpu.iota {dimensions = array<i32: 0>} : vector<16xi32>
    %mul3A_3 = arith.constant 200 : i32
    %mul3A_4 = vector.broadcast %mul3A_3 : i32 to vector<16xi32>
    %mul3A_5 = arith.muli %iota3A, %mul3A_4 : vector<16xi32>
    %scan3A = arith.constant 0 : i32
    %scan3A_6 = arith.constant 0 : i32
    %scan3A_7 = arith.constant 64 : i32
    %scan3A_8 = arith.addi %scan3A_6, %scan3A_7 : i32
    %scan3A_9 = arith.constant 1 : i32
    %scan3A_10 = scf.for %scan3A_29 = %scan3A_6 to %scan3A_8 step %scan3A_9 iter_args(%scan3A_30 = %scan3A) -> (i32)  : i32 {
      %mul3A_31 = arith.constant 16 : i32
      %mul3A_32 = arith.muli %scan3A_29, %mul3A_31 : i32
      %get3A = arith.index_cast %mul3A_32 : i32 to index
      %get3A_33 = tpu.vector_load %arg6[%get3A] {strides = array<i32>} : memref<2048xf32, #tpu.memory_space<vmem>>, vector<16xf32>,
      %bitcast3A = vector.bitcast %get3A_33 : vector<16xf32> to vector<16xi32>
      %mul3A_34 = arith.constant 16 : i32
      %mul3A_35 = arith.muli %scan3A_29, %mul3A_34 : i32
      %add3A_36 = arith.constant 1024 : i32
      %add3A_37 = arith.addi %add3A_36, %mul3A_35 : i32
      %get3A_38 = arith.index_cast %add3A_37 : i32 to index
      %get3A_39 = tpu.vector_load %arg6[%get3A_38] {strides = array<i32>} : memref<2048xf32, #tpu.memory_space<vmem>>, vector<16xf32>,
      %bitcast3A_40 = vector.bitcast %get3A_39 : vector<16xf32> to vector<16xi32>
      %add3A_41 = arith.constant 32768 : i32
      %add3A_42 = vector.broadcast %add3A_41 : i32 to vector<16xi32>
      %add3A_43 = arith.addi %bitcast3A, %add3A_42 : vector<16xi32>
      %shift_right_logical3A = arith.constant 16 : i32
      %shift_right_logical3A_44 = vector.broadcast %shift_right_logical3A : i32 to vector<16xi32>
      %shift_right_logical3A_45 = arith.shrui %add3A_43, %shift_right_logical3A_44 : vector<16xi32>
      %add3A_46 = arith.constant 32768 : i32
      %add3A_47 = vector.broadcast %add3A_46 : i32 to vector<16xi32>
      %add3A_48 = arith.addi %bitcast3A_40, %add3A_47 : vector<16xi32>
      %and3A = arith.constant -65536 : i32
      %and3A_49 = vector.broadcast %and3A : i32 to vector<16xi32>
      %and3A_50 = arith.andi %add3A_48, %and3A_49 : vector<16xi32>
      %or3A = arith.ori %shift_right_logical3A_45, %and3A_50 : vector<16xi32>
      %mul3A_51 = arith.constant 16 : i32
      %mul3A_52 = arith.muli %scan3A_29, %mul3A_51 : i32
      %swap3A = arith.index_cast %mul3A_52 : i32 to index
      %swap3A_53 = tpu.vector_load %arg7[%swap3A] {strides = array<i32>} : memref<1024xi32, #tpu.memory_space<vmem>>, vector<16xi32>,
      tpu.vector_store %arg7[%swap3A], %or3A {strides = array<i32>} : memref<1024xi32, #tpu.memory_space<vmem>>, vector<16xi32>,
      %scan3A_54 = arith.constant 0 : i32
      scf.yield %scan3A_54 : i32
    }
    %scan3A_11 = arith.constant 64 : i32
    %add3A_12 = arith.constant 0 : i32
    %add3A_13 = arith.addi %mul3A_2, %add3A_12 : i32
    %dma_start3A = tpu.memref_slice %arg2[%add3A_13] : memref<1638400xi32, #tpu.memory_space<hbm>> -> memref<3200xi32, #tpu.memory_space<hbm>>
    %dma_start3A_14 = tpu.memref_slice %arg2[%add3A_13] : memref<1638400xi32, #tpu.memory_space<hbm>> -> memref<3200xi32, #tpu.memory_space<hbm>>
    tpu.enqueue_dma source(%dma_start3A_14 : memref<3200xi32, #tpu.memory_space<hbm>>) target(%arg8 : memref<3200xi32, #tpu.memory_space<vmem>>) target_semaphore(%arg14 : memref<!tpu.dma_semaphore, #tpu.memory_space<semaphore_mem>>)
    %scan3A_15 = arith.constant 0 : i32
    %scan3A_16 = arith.constant 8 : i32
    %scan3A_17 = arith.addi %scan3A_15, %scan3A_16 : i32
    %scan3A_18 = arith.constant 1 : i32
    scf.for %scan3A_29 = %scan3A_15 to %scan3A_17 step %scan3A_18  : i32 {
      %mul3A_30 = arith.constant 1 : i32
      %mul3A_31 = arith.muli %scan3A_29, %mul3A_30 : i32
      %add3A_32 = arith.constant 0 : i32
      %add3A_33 = arith.addi %add3A_32, %mul3A_31 : i32
      %mul3A_34 = arith.constant 2 : i32
      %mul3A_35 = arith.muli %mul3A_34, %add3A_33 : i32
      %add3A_36 = arith.constant 1 : i32
      %add3A_37 = arith.addi %mul3A_35, %add3A_36 : i32
      %mul3A_38 = arith.constant 3200 : i32
      %mul3A_39 = arith.muli %add3A_37, %mul3A_38 : i32
      %add3A_40 = arith.addi %mul3A_2, %mul3A_39 : i32
      %dma_start3A_41 = tpu.memref_slice %arg2[%add3A_40] : memref<1638400xi32, #tpu.memory_space<hbm>> -> memref<3200xi32, #tpu.memory_space<hbm>>
      %dma_start3A_42 = tpu.memref_slice %arg2[%add3A_40] : memref<1638400xi32, #tpu.memory_space<hbm>> -> memref<3200xi32, #tpu.memory_space<hbm>>
      tpu.enqueue_dma source(%dma_start3A_42 : memref<3200xi32, #tpu.memory_space<hbm>>) target(%arg9 : memref<3200xi32, #tpu.memory_space<vmem>>) target_semaphore(%arg15 : memref<!tpu.dma_semaphore, #tpu.memory_space<semaphore_mem>>)
      %dma_wait3A_43 = arith.constant 0 : i32
      %dma_wait3A_44 = tpu.memref_slice %arg2[%dma_wait3A_43] : memref<1638400xi32, #tpu.memory_space<hbm>> -> memref<3200xi32, #tpu.memory_space<hbm>>
      %dma_wait3A_45 = arith.constant 0 : i32
      %dma_wait3A_46 = tpu.memref_slice %arg2[%dma_wait3A_45] : memref<1638400xi32, #tpu.memory_space<hbm>> -> memref<3200xi32, #tpu.memory_space<hbm>>
      tpu.wait_dma2 semaphore(%arg14 : memref<!tpu.dma_semaphore, #tpu.memory_space<semaphore_mem>>) src(%dma_wait3A_46 : memref<3200xi32, #tpu.memory_space<hbm>>) dst(%arg8 : memref<3200xi32, #tpu.memory_space<vmem>>)
      %broadcast_in_dim3A = arith.constant 0.000000e+00 : f32
      %broadcast_in_dim3A_47 = vector.broadcast %broadcast_in_dim3A : f32 to vector<16xf32>
      %scan3A_48 = arith.constant 0 : i32
      %scan3A_49 = arith.constant 25 : i32
      %scan3A_50 = arith.addi %scan3A_48, %scan3A_49 : i32
      %scan3A_51 = arith.constant 1 : i32
      %scan3A_52:4 = scf.for %scan3A_107 = %scan3A_48 to %scan3A_50 step %scan3A_51 iter_args(%scan3A_108 = %broadcast_in_dim3A_47, %scan3A_109 = %broadcast_in_dim3A_47, %scan3A_110 = %broadcast_in_dim3A_47, %scan3A_111 = %broadcast_in_dim3A_47) -> (vector<16xf32>, vector<16xf32>, vector<16xf32>, vector<16xf32>)  : i32 {
        %mul3A_112 = arith.constant 8 : i32
        %mul3A_113 = arith.muli %scan3A_107, %mul3A_112 : i32
        %add3A_114 = arith.constant 0 : i32
        %add3A_115 = arith.addi %mul3A_113, %add3A_114 : i32
        %add3A_116 = vector.broadcast %add3A_115 : i32 to vector<16xi32>
        %add3A_117 = arith.addi %mul3A_5, %add3A_116 : vector<16xi32>
        %gather3A = tpu.vector_load_idx %arg8[%add3A_117] : memref<3200xi32, #tpu.memory_space<vmem>>[vector<16xi32>], vector<16xi32>,
        %and3A = arith.constant 65535 : i32
        %and3A_118 = vector.broadcast %and3A : i32 to vector<16xi32>
        %and3A_119 = arith.andi %gather3A, %and3A_118 : vector<16xi32>
        %shift_right_logical3A = arith.constant 16 : i32
        %shift_right_logical3A_120 = vector.broadcast %shift_right_logical3A : i32 to vector<16xi32>
        %shift_right_logical3A_121 = arith.shrui %gather3A, %shift_right_logical3A_120 : vector<16xi32>
        %gather3A_122 = tpu.vector_load_idx %arg7[%and3A_119] : memref<1024xi32, #tpu.memory_space<vmem>>[vector<16xi32>], vector<16xi32>,
        %gather3A_123 = tpu.vector_load_idx %arg7[%shift_right_logical3A_121] : memref<1024xi32, #tpu.memory_space<vmem>>[vector<16xi32>], vector<16xi32>,
        %shift_left3A = arith.constant 16 : i32
        %shift_left3A_124 = vector.broadcast %shift_left3A : i32 to vector<16xi32>
        %shift_left3A_125 = arith.shli %gather3A_122, %shift_left3A_124 : vector<16xi32>
        %bitcast3A = vector.bitcast %shift_left3A_125 : vector<16xi32> to vector<16xf32>
        %add3A_126 = arith.addf %scan3A_108, %bitcast3A : vector<16xf32>
        %and3A_127 = arith.constant -65536 : i32
        %and3A_128 = vector.broadcast %and3A_127 : i32 to vector<16xi32>
        %and3A_129 = arith.andi %gather3A_122, %and3A_128 : vector<16xi32>
        %bitcast3A_130 = vector.bitcast %and3A_129 : vector<16xi32> to vector<16xf32>
        %add3A_131 = arith.addf %scan3A_109, %bitcast3A_130 : vector<16xf32>
        %shift_left3A_132 = arith.constant 16 : i32
        %shift_left3A_133 = vector.broadcast %shift_left3A_132 : i32 to vector<16xi32>
        %shift_left3A_134 = arith.shli %gather3A_123, %shift_left3A_133 : vector<16xi32>
        %bitcast3A_135 = vector.bitcast %shift_left3A_134 : vector<16xi32> to vector<16xf32>
        %add3A_136 = arith.addf %scan3A_110, %bitcast3A_135 : vector<16xf32>
        %and3A_137 = arith.constant -65536 : i32
        %and3A_138 = vector.broadcast %and3A_137 : i32 to vector<16xi32>
        %and3A_139 = arith.andi %gather3A_123, %and3A_138 : vector<16xi32>
        %bitcast3A_140 = vector.bitcast %and3A_139 : vector<16xi32> to vector<16xf32>
        %add3A_141 = arith.addf %scan3A_111, %bitcast3A_140 : vector<16xf32>
        %mul3A_142 = arith.constant 8 : i32
        %mul3A_143 = arith.muli %scan3A_107, %mul3A_142 : i32
        %add3A_144 = arith.constant 1 : i32
        %add3A_145 = arith.addi %mul3A_143, %add3A_144 : i32
        %add3A_146 = vector.broadcast %add3A_145 : i32 to vector<16xi32>
        %add3A_147 = arith.addi %mul3A_5, %add3A_146 : vector<16xi32>
        %gather3A_148 = tpu.vector_load_idx %arg8[%add3A_147] : memref<3200xi32, #tpu.memory_space<vmem>>[vector<16xi32>], vector<16xi32>,
        %and3A_149 = arith.constant 65535 : i32
        %and3A_150 = vector.broadcast %and3A_149 : i32 to vector<16xi32>
        %and3A_151 = arith.andi %gather3A_148, %and3A_150 : vector<16xi32>
        %shift_right_logical3A_152 = arith.constant 16 : i32
        %shift_right_logical3A_153 = vector.broadcast %shift_right_logical3A_152 : i32 to vector<16xi32>
        %shift_right_logical3A_154 = arith.shrui %gather3A_148, %shift_right_logical3A_153 : vector<16xi32>
        %gather3A_155 = tpu.vector_load_idx %arg7[%and3A_151] : memref<1024xi32, #tpu.memory_space<vmem>>[vector<16xi32>], vector<16xi32>,
        %gather3A_156 = tpu.vector_load_idx %arg7[%shift_right_logical3A_154] : memref<1024xi32, #tpu.memory_space<vmem>>[vector<16xi32>], vector<16xi32>,
        %shift_left3A_157 = arith.constant 16 : i32
        %shift_left3A_158 = vector.broadcast %shift_left3A_157 : i32 to vector<16xi32>
        %shift_left3A_159 = arith.shli %gather3A_155, %shift_left3A_158 : vector<16xi32>
        %bitcast3A_160 = vector.bitcast %shift_left3A_159 : vector<16xi32> to vector<16xf32>
        %add3A_161 = arith.addf %add3A_126, %bitcast3A_160 : vector<16xf32>
        %and3A_162 = arith.constant -65536 : i32
        %and3A_163 = vector.broadcast %and3A_162 : i32 to vector<16xi32>
        %and3A_164 = arith.andi %gather3A_155, %and3A_163 : vector<16xi32>
        %bitcast3A_165 = vector.bitcast %and3A_164 : vector<16xi32> to vector<16xf32>
        %add3A_166 = arith.addf %add3A_131, %bitcast3A_165 : vector<16xf32>
        %shift_left3A_167 = arith.constant 16 : i32
        %shift_left3A_168 = vector.broadcast %shift_left3A_167 : i32 to vector<16xi32>
        %shift_left3A_169 = arith.shli %gather3A_156, %shift_left3A_168 : vector<16xi32>
        %bitcast3A_170 = vector.bitcast %shift_left3A_169 : vector<16xi32> to vector<16xf32>
        %add3A_171 = arith.addf %add3A_136, %bitcast3A_170 : vector<16xf32>
        %and3A_172 = arith.constant -65536 : i32
        %and3A_173 = vector.broadcast %and3A_172 : i32 to vector<16xi32>
        %and3A_174 = arith.andi %gather3A_156, %and3A_173 : vector<16xi32>
        %bitcast3A_175 = vector.bitcast %and3A_174 : vector<16xi32> to vector<16xf32>
        %add3A_176 = arith.addf %add3A_141, %bitcast3A_175 : vector<16xf32>
        %mul3A_177 = arith.constant 8 : i32
        %mul3A_178 = arith.muli %scan3A_107, %mul3A_177 : i32
        %add3A_179 = arith.constant 2 : i32
        %add3A_180 = arith.addi %mul3A_178, %add3A_179 : i32
        %add3A_181 = vector.broadcast %add3A_180 : i32 to vector<16xi32>
        %add3A_182 = arith.addi %mul3A_5, %add3A_181 : vector<16xi32>
        %gather3A_183 = tpu.vector_load_idx %arg8[%add3A_182] : memref<3200xi32, #tpu.memory_space<vmem>>[vector<16xi32>], vector<16xi32>,
        %and3A_184 = arith.constant 65535 : i32
        %and3A_185 = vector.broadcast %and3A_184 : i32 to vector<16xi32>
        %and3A_186 = arith.andi %gather3A_183, %and3A_185 : vector<16xi32>
        %shift_right_logical3A_187 = arith.constant 16 : i32
        %shift_right_logical3A_188 = vector.broadcast %shift_right_logical3A_187 : i32 to vector<16xi32>
        %shift_right_logical3A_189 = arith.shrui %gather3A_183, %shift_right_logical3A_188 : vector<16xi32>
        %gather3A_190 = tpu.vector_load_idx %arg7[%and3A_186] : memref<1024xi32, #tpu.memory_space<vmem>>[vector<16xi32>], vector<16xi32>,
        %gather3A_191 = tpu.vector_load_idx %arg7[%shift_right_logical3A_189] : memref<1024xi32, #tpu.memory_space<vmem>>[vector<16xi32>], vector<16xi32>,
        %shift_left3A_192 = arith.constant 16 : i32
        %shift_left3A_193 = vector.broadcast %shift_left3A_192 : i32 to vector<16xi32>
        %shift_left3A_194 = arith.shli %gather3A_190, %shift_left3A_193 : vector<16xi32>
        %bitcast3A_195 = vector.bitcast %shift_left3A_194 : vector<16xi32> to vector<16xf32>
        %add3A_196 = arith.addf %add3A_161, %bitcast3A_195 : vector<16xf32>
        %and3A_197 = arith.constant -65536 : i32
        %and3A_198 = vector.broadcast %and3A_197 : i32 to vector<16xi32>
        %and3A_199 = arith.andi %gather3A_190, %and3A_198 : vector<16xi32>
        %bitcast3A_200 = vector.bitcast %and3A_199 : vector<16xi32> to vector<16xf32>
        %add3A_201 = arith.addf %add3A_166, %bitcast3A_200 : vector<16xf32>
        %shift_left3A_202 = arith.constant 16 : i32
        %shift_left3A_203 = vector.broadcast %shift_left3A_202 : i32 to vector<16xi32>
        %shift_left3A_204 = arith.shli %gather3A_191, %shift_left3A_203 : vector<16xi32>
        %bitcast3A_205 = vector.bitcast %shift_left3A_204 : vector<16xi32> to vector<16xf32>
        %add3A_206 = arith.addf %add3A_171, %bitcast3A_205 : vector<16xf32>
        %and3A_207 = arith.constant -65536 : i32
        %and3A_208 = vector.broadcast %and3A_207 : i32 to vector<16xi32>
        %and3A_209 = arith.andi %gather3A_191, %and3A_208 : vector<16xi32>
        %bitcast3A_210 = vector.bitcast %and3A_209 : vector<16xi32> to vector<16xf32>
        %add3A_211 = arith.addf %add3A_176, %bitcast3A_210 : vector<16xf32>
        %mul3A_212 = arith.constant 8 : i32
        %mul3A_213 = arith.muli %scan3A_107, %mul3A_212 : i32
        %add3A_214 = arith.constant 3 : i32
        %add3A_215 = arith.addi %mul3A_213, %add3A_214 : i32
        %add3A_216 = vector.broadcast %add3A_215 : i32 to vector<16xi32>
        %add3A_217 = arith.addi %mul3A_5, %add3A_216 : vector<16xi32>
        %gather3A_218 = tpu.vector_load_idx %arg8[%add3A_217] : memref<3200xi32, #tpu.memory_space<vmem>>[vector<16xi32>], vector<16xi32>,
        %and3A_219 = arith.constant 65535 : i32
        %and3A_220 = vector.broadcast %and3A_219 : i32 to vector<16xi32>
        %and3A_221 = arith.andi %gather3A_218, %and3A_220 : vector<16xi32>
        %shift_right_logical3A_222 = arith.constant 16 : i32
        %shift_right_logical3A_223 = vector.broadcast %shift_right_logical3A_222 : i32 to vector<16xi32>
        %shift_right_logical3A_224 = arith.shrui %gather3A_218, %shift_right_logical3A_223 : vector<16xi32>
        %gather3A_225 = tpu.vector_load_idx %arg7[%and3A_221] : memref<1024xi32, #tpu.memory_space<vmem>>[vector<16xi32>], vector<16xi32>,
        %gather3A_226 = tpu.vector_load_idx %arg7[%shift_right_logical3A_224] : memref<1024xi32, #tpu.memory_space<vmem>>[vector<16xi32>], vector<16xi32>,
        %shift_left3A_227 = arith.constant 16 : i32
        %shift_left3A_228 = vector.broadcast %shift_left3A_227 : i32 to vector<16xi32>
        %shift_left3A_229 = arith.shli %gather3A_225, %shift_left3A_228 : vector<16xi32>
        %bitcast3A_230 = vector.bitcast %shift_left3A_229 : vector<16xi32> to vector<16xf32>
        %add3A_231 = arith.addf %add3A_196, %bitcast3A_230 : vector<16xf32>
        %and3A_232 = arith.constant -65536 : i32
        %and3A_233 = vector.broadcast %and3A_232 : i32 to vector<16xi32>
        %and3A_234 = arith.andi %gather3A_225, %and3A_233 : vector<16xi32>
        %bitcast3A_235 = vector.bitcast %and3A_234 : vector<16xi32> to vector<16xf32>
        %add3A_236 = arith.addf %add3A_201, %bitcast3A_235 : vector<16xf32>
        %shift_left3A_237 = arith.constant 16 : i32
        %shift_left3A_238 = vector.broadcast %shift_left3A_237 : i32 to vector<16xi32>
        %shift_left3A_239 = arith.shli %gather3A_226, %shift_left3A_238 : vector<16xi32>
        %bitcast3A_240 = vector.bitcast %shift_left3A_239 : vector<16xi32> to vector<16xf32>
        %add3A_241 = arith.addf %add3A_206, %bitcast3A_240 : vector<16xf32>
        %and3A_242 = arith.constant -65536 : i32
        %and3A_243 = vector.broadcast %and3A_242 : i32 to vector<16xi32>
        %and3A_244 = arith.andi %gather3A_226, %and3A_243 : vector<16xi32>
        %bitcast3A_245 = vector.bitcast %and3A_244 : vector<16xi32> to vector<16xf32>
        %add3A_246 = arith.addf %add3A_211, %bitcast3A_245 : vector<16xf32>
        %mul3A_247 = arith.constant 8 : i32
        %mul3A_248 = arith.muli %scan3A_107, %mul3A_247 : i32
        %add3A_249 = arith.constant 4 : i32
        %add3A_250 = arith.addi %mul3A_248, %add3A_249 : i32
        %add3A_251 = vector.broadcast %add3A_250 : i32 to vector<16xi32>
        %add3A_252 = arith.addi %mul3A_5, %add3A_251 : vector<16xi32>
        %gather3A_253 = tpu.vector_load_idx %arg8[%add3A_252] : memref<3200xi32, #tpu.memory_space<vmem>>[vector<16xi32>], vector<16xi32>,
        %and3A_254 = arith.constant 65535 : i32
        %and3A_255 = vector.broadcast %and3A_254 : i32 to vector<16xi32>
        %and3A_256 = arith.andi %gather3A_253, %and3A_255 : vector<16xi32>
        %shift_right_logical3A_257 = arith.constant 16 : i32
        %shift_right_logical3A_258 = vector.broadcast %shift_right_logical3A_257 : i32 to vector<16xi32>
        %shift_right_logical3A_259 = arith.shrui %gather3A_253, %shift_right_logical3A_258 : vector<16xi32>
        %gather3A_260 = tpu.vector_load_idx %arg7[%and3A_256] : memref<1024xi32, #tpu.memory_space<vmem>>[vector<16xi32>], vector<16xi32>,
        %gather3A_261 = tpu.vector_load_idx %arg7[%shift_right_logical3A_259] : memref<1024xi32, #tpu.memory_space<vmem>>[vector<16xi32>], vector<16xi32>,
        %shift_left3A_262 = arith.constant 16 : i32
        %shift_left3A_263 = vector.broadcast %shift_left3A_262 : i32 to vector<16xi32>
        %shift_left3A_264 = arith.shli %gather3A_260, %shift_left3A_263 : vector<16xi32>
        %bitcast3A_265 = vector.bitcast %shift_left3A_264 : vector<16xi32> to vector<16xf32>
        %add3A_266 = arith.addf %add3A_231, %bitcast3A_265 : vector<16xf32>
        %and3A_267 = arith.constant -65536 : i32
        %and3A_268 = vector.broadcast %and3A_267 : i32 to vector<16xi32>
        %and3A_269 = arith.andi %gather3A_260, %and3A_268 : vector<16xi32>
        %bitcast3A_270 = vector.bitcast %and3A_269 : vector<16xi32> to vector<16xf32>
        %add3A_271 = arith.addf %add3A_236, %bitcast3A_270 : vector<16xf32>
        %shift_left3A_272 = arith.constant 16 : i32
        %shift_left3A_273 = vector.broadcast %shift_left3A_272 : i32 to vector<16xi32>
        %shift_left3A_274 = arith.shli %gather3A_261, %shift_left3A_273 : vector<16xi32>
        %bitcast3A_275 = vector.bitcast %shift_left3A_274 : vector<16xi32> to vector<16xf32>
        %add3A_276 = arith.addf %add3A_241, %bitcast3A_275 : vector<16xf32>
        %and3A_277 = arith.constant -65536 : i32
        %and3A_278 = vector.broadcast %and3A_277 : i32 to vector<16xi32>
        %and3A_279 = arith.andi %gather3A_261, %and3A_278 : vector<16xi32>
        %bitcast3A_280 = vector.bitcast %and3A_279 : vector<16xi32> to vector<16xf32>
        %add3A_281 = arith.addf %add3A_246, %bitcast3A_280 : vector<16xf32>
        %mul3A_282 = arith.constant 8 : i32
        %mul3A_283 = arith.muli %scan3A_107, %mul3A_282 : i32
        %add3A_284 = arith.constant 5 : i32
        %add3A_285 = arith.addi %mul3A_283, %add3A_284 : i32
        %add3A_286 = vector.broadcast %add3A_285 : i32 to vector<16xi32>
        %add3A_287 = arith.addi %mul3A_5, %add3A_286 : vector<16xi32>
        %gather3A_288 = tpu.vector_load_idx %arg8[%add3A_287] : memref<3200xi32, #tpu.memory_space<vmem>>[vector<16xi32>], vector<16xi32>,
        %and3A_289 = arith.constant 65535 : i32
        %and3A_290 = vector.broadcast %and3A_289 : i32 to vector<16xi32>
        %and3A_291 = arith.andi %gather3A_288, %and3A_290 : vector<16xi32>
        %shift_right_logical3A_292 = arith.constant 16 : i32
        %shift_right_logical3A_293 = vector.broadcast %shift_right_logical3A_292 : i32 to vector<16xi32>
        %shift_right_logical3A_294 = arith.shrui %gather3A_288, %shift_right_logical3A_293 : vector<16xi32>
        %gather3A_295 = tpu.vector_load_idx %arg7[%and3A_291] : memref<1024xi32, #tpu.memory_space<vmem>>[vector<16xi32>], vector<16xi32>,
        %gather3A_296 = tpu.vector_load_idx %arg7[%shift_right_logical3A_294] : memref<1024xi32, #tpu.memory_space<vmem>>[vector<16xi32>], vector<16xi32>,
        %shift_left3A_297 = arith.constant 16 : i32
        %shift_left3A_298 = vector.broadcast %shift_left3A_297 : i32 to vector<16xi32>
        %shift_left3A_299 = arith.shli %gather3A_295, %shift_left3A_298 : vector<16xi32>
        %bitcast3A_300 = vector.bitcast %shift_left3A_299 : vector<16xi32> to vector<16xf32>
        %add3A_301 = arith.addf %add3A_266, %bitcast3A_300 : vector<16xf32>
        %and3A_302 = arith.constant -65536 : i32
        %and3A_303 = vector.broadcast %and3A_302 : i32 to vector<16xi32>
        %and3A_304 = arith.andi %gather3A_295, %and3A_303 : vector<16xi32>
        %bitcast3A_305 = vector.bitcast %and3A_304 : vector<16xi32> to vector<16xf32>
        %add3A_306 = arith.addf %add3A_271, %bitcast3A_305 : vector<16xf32>
        %shift_left3A_307 = arith.constant 16 : i32
        %shift_left3A_308 = vector.broadcast %shift_left3A_307 : i32 to vector<16xi32>
        %shift_left3A_309 = arith.shli %gather3A_296, %shift_left3A_308 : vector<16xi32>
        %bitcast3A_310 = vector.bitcast %shift_left3A_309 : vector<16xi32> to vector<16xf32>
        %add3A_311 = arith.addf %add3A_276, %bitcast3A_310 : vector<16xf32>
        %and3A_312 = arith.constant -65536 : i32
        %and3A_313 = vector.broadcast %and3A_312 : i32 to vector<16xi32>
        %and3A_314 = arith.andi %gather3A_296, %and3A_313 : vector<16xi32>
        %bitcast3A_315 = vector.bitcast %and3A_314 : vector<16xi32> to vector<16xf32>
        %add3A_316 = arith.addf %add3A_281, %bitcast3A_315 : vector<16xf32>
        %mul3A_317 = arith.constant 8 : i32
        %mul3A_318 = arith.muli %scan3A_107, %mul3A_317 : i32
        %add3A_319 = arith.constant 6 : i32
        %add3A_320 = arith.addi %mul3A_318, %add3A_319 : i32
        %add3A_321 = vector.broadcast %add3A_320 : i32 to vector<16xi32>
        %add3A_322 = arith.addi %mul3A_5, %add3A_321 : vector<16xi32>
        %gather3A_323 = tpu.vector_load_idx %arg8[%add3A_322] : memref<3200xi32, #tpu.memory_space<vmem>>[vector<16xi32>], vector<16xi32>,
        %and3A_324 = arith.constant 65535 : i32
        %and3A_325 = vector.broadcast %and3A_324 : i32 to vector<16xi32>
        %and3A_326 = arith.andi %gather3A_323, %and3A_325 : vector<16xi32>
        %shift_right_logical3A_327 = arith.constant 16 : i32
        %shift_right_logical3A_328 = vector.broadcast %shift_right_logical3A_327 : i32 to vector<16xi32>
        %shift_right_logical3A_329 = arith.shrui %gather3A_323, %shift_right_logical3A_328 : vector<16xi32>
        %gather3A_330 = tpu.vector_load_idx %arg7[%and3A_326] : memref<1024xi32, #tpu.memory_space<vmem>>[vector<16xi32>], vector<16xi32>,
        %gather3A_331 = tpu.vector_load_idx %arg7[%shift_right_logical3A_329] : memref<1024xi32, #tpu.memory_space<vmem>>[vector<16xi32>], vector<16xi32>,
        %shift_left3A_332 = arith.constant 16 : i32
        %shift_left3A_333 = vector.broadcast %shift_left3A_332 : i32 to vector<16xi32>
        %shift_left3A_334 = arith.shli %gather3A_330, %shift_left3A_333 : vector<16xi32>
        %bitcast3A_335 = vector.bitcast %shift_left3A_334 : vector<16xi32> to vector<16xf32>
        %add3A_336 = arith.addf %add3A_301, %bitcast3A_335 : vector<16xf32>
        %and3A_337 = arith.constant -65536 : i32
        %and3A_338 = vector.broadcast %and3A_337 : i32 to vector<16xi32>
        %and3A_339 = arith.andi %gather3A_330, %and3A_338 : vector<16xi32>
        %bitcast3A_340 = vector.bitcast %and3A_339 : vector<16xi32> to vector<16xf32>
        %add3A_341 = arith.addf %add3A_306, %bitcast3A_340 : vector<16xf32>
        %shift_left3A_342 = arith.constant 16 : i32
        %shift_left3A_343 = vector.broadcast %shift_left3A_342 : i32 to vector<16xi32>
        %shift_left3A_344 = arith.shli %gather3A_331, %shift_left3A_343 : vector<16xi32>
        %bitcast3A_345 = vector.bitcast %shift_left3A_344 : vector<16xi32> to vector<16xf32>
        %add3A_346 = arith.addf %add3A_311, %bitcast3A_345 : vector<16xf32>
        %and3A_347 = arith.constant -65536 : i32
        %and3A_348 = vector.broadcast %and3A_347 : i32 to vector<16xi32>
        %and3A_349 = arith.andi %gather3A_331, %and3A_348 : vector<16xi32>
        %bitcast3A_350 = vector.bitcast %and3A_349 : vector<16xi32> to vector<16xf32>
        %add3A_351 = arith.addf %add3A_316, %bitcast3A_350 : vector<16xf32>
        %mul3A_352 = arith.constant 8 : i32
        %mul3A_353 = arith.muli %scan3A_107, %mul3A_352 : i32
        %add3A_354 = arith.constant 7 : i32
        %add3A_355 = arith.addi %mul3A_353, %add3A_354 : i32
        %add3A_356 = vector.broadcast %add3A_355 : i32 to vector<16xi32>
        %add3A_357 = arith.addi %mul3A_5, %add3A_356 : vector<16xi32>
        %gather3A_358 = tpu.vector_load_idx %arg8[%add3A_357] : memref<3200xi32, #tpu.memory_space<vmem>>[vector<16xi32>], vector<16xi32>,
        %and3A_359 = arith.constant 65535 : i32
        %and3A_360 = vector.broadcast %and3A_359 : i32 to vector<16xi32>
        %and3A_361 = arith.andi %gather3A_358, %and3A_360 : vector<16xi32>
        %shift_right_logical3A_362 = arith.constant 16 : i32
        %shift_right_logical3A_363 = vector.broadcast %shift_right_logical3A_362 : i32 to vector<16xi32>
        %shift_right_logical3A_364 = arith.shrui %gather3A_358, %shift_right_logical3A_363 : vector<16xi32>
        %gather3A_365 = tpu.vector_load_idx %arg7[%and3A_361] : memref<1024xi32, #tpu.memory_space<vmem>>[vector<16xi32>], vector<16xi32>,
        %gather3A_366 = tpu.vector_load_idx %arg7[%shift_right_logical3A_364] : memref<1024xi32, #tpu.memory_space<vmem>>[vector<16xi32>], vector<16xi32>,
        %shift_left3A_367 = arith.constant 16 : i32
        %shift_left3A_368 = vector.broadcast %shift_left3A_367 : i32 to vector<16xi32>
        %shift_left3A_369 = arith.shli %gather3A_365, %shift_left3A_368 : vector<16xi32>
        %bitcast3A_370 = vector.bitcast %shift_left3A_369 : vector<16xi32> to vector<16xf32>
        %add3A_371 = arith.addf %add3A_336, %bitcast3A_370 : vector<16xf32>
        %and3A_372 = arith.constant -65536 : i32
        %and3A_373 = vector.broadcast %and3A_372 : i32 to vector<16xi32>
        %and3A_374 = arith.andi %gather3A_365, %and3A_373 : vector<16xi32>
        %bitcast3A_375 = vector.bitcast %and3A_374 : vector<16xi32> to vector<16xf32>
        %add3A_376 = arith.addf %add3A_341, %bitcast3A_375 : vector<16xf32>
        %shift_left3A_377 = arith.constant 16 : i32
        %shift_left3A_378 = vector.broadcast %shift_left3A_377 : i32 to vector<16xi32>
        %shift_left3A_379 = arith.shli %gather3A_366, %shift_left3A_378 : vector<16xi32>
        %bitcast3A_380 = vector.bitcast %shift_left3A_379 : vector<16xi32> to vector<16xf32>
        %add3A_381 = arith.addf %add3A_346, %bitcast3A_380 : vector<16xf32>
        %and3A_382 = arith.constant -65536 : i32
        %and3A_383 = vector.broadcast %and3A_382 : i32 to vector<16xi32>
        %and3A_384 = arith.andi %gather3A_366, %and3A_383 : vector<16xi32>
        %bitcast3A_385 = vector.bitcast %and3A_384 : vector<16xi32> to vector<16xf32>
        %add3A_386 = arith.addf %add3A_351, %bitcast3A_385 : vector<16xf32>
        scf.yield %add3A_371, %add3A_376, %add3A_381, %add3A_386 : vector<16xf32>, vector<16xf32>, vector<16xf32>, vector<16xf32>
      }
      %scan3A_53 = arith.constant 25 : i32
      %mul3A_54 = arith.constant 16 : i32
      %mul3A_55 = arith.muli %mul3A_35, %mul3A_54 : i32
      %swap3A = arith.index_cast %mul3A_55 : i32 to index
      %swap3A_56 = tpu.vector_load %arg10[%swap3A] {strides = array<i32>} : memref<256xf32, #tpu.memory_space<vmem>>, vector<16xf32>,
      tpu.vector_store %arg10[%swap3A], %scan3A_52#0 {strides = array<i32>} : memref<256xf32, #tpu.memory_space<vmem>>, vector<16xf32>,
      %mul3A_57 = arith.constant 16 : i32
      %mul3A_58 = arith.muli %mul3A_35, %mul3A_57 : i32
      %swap3A_59 = arith.index_cast %mul3A_58 : i32 to index
      %swap3A_60 = tpu.vector_load %arg11[%swap3A_59] {strides = array<i32>} : memref<256xf32, #tpu.memory_space<vmem>>, vector<16xf32>,
      tpu.vector_store %arg11[%swap3A_59], %scan3A_52#1 {strides = array<i32>} : memref<256xf32, #tpu.memory_space<vmem>>, vector<16xf32>,
      %mul3A_61 = arith.constant 16 : i32
      %mul3A_62 = arith.muli %mul3A_35, %mul3A_61 : i32
      %swap3A_63 = arith.index_cast %mul3A_62 : i32 to index
      %swap3A_64 = tpu.vector_load %arg12[%swap3A_63] {strides = array<i32>} : memref<256xf32, #tpu.memory_space<vmem>>, vector<16xf32>,
      tpu.vector_store %arg12[%swap3A_63], %scan3A_52#2 {strides = array<i32>} : memref<256xf32, #tpu.memory_space<vmem>>, vector<16xf32>,
      %mul3A_65 = arith.constant 16 : i32
      %mul3A_66 = arith.muli %mul3A_35, %mul3A_65 : i32
      %swap3A_67 = arith.index_cast %mul3A_66 : i32 to index
      %swap3A_68 = tpu.vector_load %arg13[%swap3A_67] {strides = array<i32>} : memref<256xf32, #tpu.memory_space<vmem>>, vector<16xf32>,
      tpu.vector_store %arg13[%swap3A_67], %scan3A_52#3 {strides = array<i32>} : memref<256xf32, #tpu.memory_space<vmem>>, vector<16xf32>,
      %add3A_69 = arith.constant 2 : i32
      %add3A_70 = arith.addi %mul3A_35, %add3A_69 : i32
      %min3A = arith.constant 15 : i32
      %min3A_71 = arith.minsi %add3A_70, %min3A : i32
      %mul3A_72 = arith.constant 3200 : i32
      %mul3A_73 = arith.muli %min3A_71, %mul3A_72 : i32
      %add3A_74 = arith.addi %mul3A_2, %mul3A_73 : i32
      %dma_start3A_75 = tpu.memref_slice %arg2[%add3A_74] : memref<1638400xi32, #tpu.memory_space<hbm>> -> memref<3200xi32, #tpu.memory_space<hbm>>
      %dma_start3A_76 = tpu.memref_slice %arg2[%add3A_74] : memref<1638400xi32, #tpu.memory_space<hbm>> -> memref<3200xi32, #tpu.memory_space<hbm>>
      tpu.enqueue_dma source(%dma_start3A_76 : memref<3200xi32, #tpu.memory_space<hbm>>) target(%arg8 : memref<3200xi32, #tpu.memory_space<vmem>>) target_semaphore(%arg14 : memref<!tpu.dma_semaphore, #tpu.memory_space<semaphore_mem>>)
      %dma_wait3A_77 = arith.constant 0 : i32
      %dma_wait3A_78 = tpu.memref_slice %arg2[%dma_wait3A_77] : memref<1638400xi32, #tpu.memory_space<hbm>> -> memref<3200xi32, #tpu.memory_space<hbm>>
      %dma_wait3A_79 = arith.constant 0 : i32
      %dma_wait3A_80 = tpu.memref_slice %arg2[%dma_wait3A_79] : memref<1638400xi32, #tpu.memory_space<hbm>> -> memref<3200xi32, #tpu.memory_space<hbm>>
      tpu.wait_dma2 semaphore(%arg15 : memref<!tpu.dma_semaphore, #tpu.memory_space<semaphore_mem>>) src(%dma_wait3A_80 : memref<3200xi32, #tpu.memory_space<hbm>>) dst(%arg9 : memref<3200xi32, #tpu.memory_space<vmem>>)
      %add3A_81 = arith.constant 1 : i32
      %add3A_82 = arith.addi %mul3A_35, %add3A_81 : i32
      %broadcast_in_dim3A_83 = arith.constant 0.000000e+00 : f32
      %broadcast_in_dim3A_84 = vector.broadcast %broadcast_in_dim3A_83 : f32 to vector<16xf32>
      %scan3A_85 = arith.constant 0 : i32
      %scan3A_86 = arith.constant 25 : i32
      %scan3A_87 = arith.addi %scan3A_85, %scan3A_86 : i32
      %scan3A_88 = arith.constant 1 : i32
      %scan3A_89:4 = scf.for %scan3A_107 = %scan3A_85 to %scan3A_87 step %scan3A_88 iter_args(%scan3A_108 = %broadcast_in_dim3A_84, %scan3A_109 = %broadcast_in_dim3A_84, %scan3A_110 = %broadcast_in_dim3A_84, %scan3A_111 = %broadcast_in_dim3A_84) -> (vector<16xf32>, vector<16xf32>, vector<16xf32>, vector<16xf32>)  : i32 {
        %mul3A_112 = arith.constant 8 : i32
        %mul3A_113 = arith.muli %scan3A_107, %mul3A_112 : i32
        %add3A_114 = arith.constant 0 : i32
        %add3A_115 = arith.addi %mul3A_113, %add3A_114 : i32
        %add3A_116 = vector.broadcast %add3A_115 : i32 to vector<16xi32>
        %add3A_117 = arith.addi %mul3A_5, %add3A_116 : vector<16xi32>
        %gather3A = tpu.vector_load_idx %arg9[%add3A_117] : memref<3200xi32, #tpu.memory_space<vmem>>[vector<16xi32>], vector<16xi32>,
        %and3A = arith.constant 65535 : i32
        %and3A_118 = vector.broadcast %and3A : i32 to vector<16xi32>
        %and3A_119 = arith.andi %gather3A, %and3A_118 : vector<16xi32>
        %shift_right_logical3A = arith.constant 16 : i32
        %shift_right_logical3A_120 = vector.broadcast %shift_right_logical3A : i32 to vector<16xi32>
        %shift_right_logical3A_121 = arith.shrui %gather3A, %shift_right_logical3A_120 : vector<16xi32>
        %gather3A_122 = tpu.vector_load_idx %arg7[%and3A_119] : memref<1024xi32, #tpu.memory_space<vmem>>[vector<16xi32>], vector<16xi32>,
        %gather3A_123 = tpu.vector_load_idx %arg7[%shift_right_logical3A_121] : memref<1024xi32, #tpu.memory_space<vmem>>[vector<16xi32>], vector<16xi32>,
        %shift_left3A = arith.constant 16 : i32
        %shift_left3A_124 = vector.broadcast %shift_left3A : i32 to vector<16xi32>
        %shift_left3A_125 = arith.shli %gather3A_122, %shift_left3A_124 : vector<16xi32>
        %bitcast3A = vector.bitcast %shift_left3A_125 : vector<16xi32> to vector<16xf32>
        %add3A_126 = arith.addf %scan3A_108, %bitcast3A : vector<16xf32>
        %and3A_127 = arith.constant -65536 : i32
        %and3A_128 = vector.broadcast %and3A_127 : i32 to vector<16xi32>
        %and3A_129 = arith.andi %gather3A_122, %and3A_128 : vector<16xi32>
        %bitcast3A_130 = vector.bitcast %and3A_129 : vector<16xi32> to vector<16xf32>
        %add3A_131 = arith.addf %scan3A_109, %bitcast3A_130 : vector<16xf32>
        %shift_left3A_132 = arith.constant 16 : i32
        %shift_left3A_133 = vector.broadcast %shift_left3A_132 : i32 to vector<16xi32>
        %shift_left3A_134 = arith.shli %gather3A_123, %shift_left3A_133 : vector<16xi32>
        %bitcast3A_135 = vector.bitcast %shift_left3A_134 : vector<16xi32> to vector<16xf32>
        %add3A_136 = arith.addf %scan3A_110, %bitcast3A_135 : vector<16xf32>
        %and3A_137 = arith.constant -65536 : i32
        %and3A_138 = vector.broadcast %and3A_137 : i32 to vector<16xi32>
        %and3A_139 = arith.andi %gather3A_123, %and3A_138 : vector<16xi32>
        %bitcast3A_140 = vector.bitcast %and3A_139 : vector<16xi32> to vector<16xf32>
        %add3A_141 = arith.addf %scan3A_111, %bitcast3A_140 : vector<16xf32>
        %mul3A_142 = arith.constant 8 : i32
        %mul3A_143 = arith.muli %scan3A_107, %mul3A_142 : i32
        %add3A_144 = arith.constant 1 : i32
        %add3A_145 = arith.addi %mul3A_143, %add3A_144 : i32
        %add3A_146 = vector.broadcast %add3A_145 : i32 to vector<16xi32>
        %add3A_147 = arith.addi %mul3A_5, %add3A_146 : vector<16xi32>
        %gather3A_148 = tpu.vector_load_idx %arg9[%add3A_147] : memref<3200xi32, #tpu.memory_space<vmem>>[vector<16xi32>], vector<16xi32>,
        %and3A_149 = arith.constant 65535 : i32
        %and3A_150 = vector.broadcast %and3A_149 : i32 to vector<16xi32>
        %and3A_151 = arith.andi %gather3A_148, %and3A_150 : vector<16xi32>
        %shift_right_logical3A_152 = arith.constant 16 : i32
        %shift_right_logical3A_153 = vector.broadcast %shift_right_logical3A_152 : i32 to vector<16xi32>
        %shift_right_logical3A_154 = arith.shrui %gather3A_148, %shift_right_logical3A_153 : vector<16xi32>
        %gather3A_155 = tpu.vector_load_idx %arg7[%and3A_151] : memref<1024xi32, #tpu.memory_space<vmem>>[vector<16xi32>], vector<16xi32>,
        %gather3A_156 = tpu.vector_load_idx %arg7[%shift_right_logical3A_154] : memref<1024xi32, #tpu.memory_space<vmem>>[vector<16xi32>], vector<16xi32>,
        %shift_left3A_157 = arith.constant 16 : i32
        %shift_left3A_158 = vector.broadcast %shift_left3A_157 : i32 to vector<16xi32>
        %shift_left3A_159 = arith.shli %gather3A_155, %shift_left3A_158 : vector<16xi32>
        %bitcast3A_160 = vector.bitcast %shift_left3A_159 : vector<16xi32> to vector<16xf32>
        %add3A_161 = arith.addf %add3A_126, %bitcast3A_160 : vector<16xf32>
        %and3A_162 = arith.constant -65536 : i32
        %and3A_163 = vector.broadcast %and3A_162 : i32 to vector<16xi32>
        %and3A_164 = arith.andi %gather3A_155, %and3A_163 : vector<16xi32>
        %bitcast3A_165 = vector.bitcast %and3A_164 : vector<16xi32> to vector<16xf32>
        %add3A_166 = arith.addf %add3A_131, %bitcast3A_165 : vector<16xf32>
        %shift_left3A_167 = arith.constant 16 : i32
        %shift_left3A_168 = vector.broadcast %shift_left3A_167 : i32 to vector<16xi32>
        %shift_left3A_169 = arith.shli %gather3A_156, %shift_left3A_168 : vector<16xi32>
        %bitcast3A_170 = vector.bitcast %shift_left3A_169 : vector<16xi32> to vector<16xf32>
        %add3A_171 = arith.addf %add3A_136, %bitcast3A_170 : vector<16xf32>
        %and3A_172 = arith.constant -65536 : i32
        %and3A_173 = vector.broadcast %and3A_172 : i32 to vector<16xi32>
        %and3A_174 = arith.andi %gather3A_156, %and3A_173 : vector<16xi32>
        %bitcast3A_175 = vector.bitcast %and3A_174 : vector<16xi32> to vector<16xf32>
        %add3A_176 = arith.addf %add3A_141, %bitcast3A_175 : vector<16xf32>
        %mul3A_177 = arith.constant 8 : i32
        %mul3A_178 = arith.muli %scan3A_107, %mul3A_177 : i32
        %add3A_179 = arith.constant 2 : i32
        %add3A_180 = arith.addi %mul3A_178, %add3A_179 : i32
        %add3A_181 = vector.broadcast %add3A_180 : i32 to vector<16xi32>
        %add3A_182 = arith.addi %mul3A_5, %add3A_181 : vector<16xi32>
        %gather3A_183 = tpu.vector_load_idx %arg9[%add3A_182] : memref<3200xi32, #tpu.memory_space<vmem>>[vector<16xi32>], vector<16xi32>,
        %and3A_184 = arith.constant 65535 : i32
        %and3A_185 = vector.broadcast %and3A_184 : i32 to vector<16xi32>
        %and3A_186 = arith.andi %gather3A_183, %and3A_185 : vector<16xi32>
        %shift_right_logical3A_187 = arith.constant 16 : i32
        %shift_right_logical3A_188 = vector.broadcast %shift_right_logical3A_187 : i32 to vector<16xi32>
        %shift_right_logical3A_189 = arith.shrui %gather3A_183, %shift_right_logical3A_188 : vector<16xi32>
        %gather3A_190 = tpu.vector_load_idx %arg7[%and3A_186] : memref<1024xi32, #tpu.memory_space<vmem>>[vector<16xi32>], vector<16xi32>,
        %gather3A_191 = tpu.vector_load_idx %arg7[%shift_right_logical3A_189] : memref<1024xi32, #tpu.memory_space<vmem>>[vector<16xi32>], vector<16xi32>,
        %shift_left3A_192 = arith.constant 16 : i32
        %shift_left3A_193 = vector.broadcast %shift_left3A_192 : i32 to vector<16xi32>
        %shift_left3A_194 = arith.shli %gather3A_190, %shift_left3A_193 : vector<16xi32>
        %bitcast3A_195 = vector.bitcast %shift_left3A_194 : vector<16xi32> to vector<16xf32>
        %add3A_196 = arith.addf %add3A_161, %bitcast3A_195 : vector<16xf32>
        %and3A_197 = arith.constant -65536 : i32
        %and3A_198 = vector.broadcast %and3A_197 : i32 to vector<16xi32>
        %and3A_199 = arith.andi %gather3A_190, %and3A_198 : vector<16xi32>
        %bitcast3A_200 = vector.bitcast %and3A_199 : vector<16xi32> to vector<16xf32>
        %add3A_201 = arith.addf %add3A_166, %bitcast3A_200 : vector<16xf32>
        %shift_left3A_202 = arith.constant 16 : i32
        %shift_left3A_203 = vector.broadcast %shift_left3A_202 : i32 to vector<16xi32>
        %shift_left3A_204 = arith.shli %gather3A_191, %shift_left3A_203 : vector<16xi32>
        %bitcast3A_205 = vector.bitcast %shift_left3A_204 : vector<16xi32> to vector<16xf32>
        %add3A_206 = arith.addf %add3A_171, %bitcast3A_205 : vector<16xf32>
        %and3A_207 = arith.constant -65536 : i32
        %and3A_208 = vector.broadcast %and3A_207 : i32 to vector<16xi32>
        %and3A_209 = arith.andi %gather3A_191, %and3A_208 : vector<16xi32>
        %bitcast3A_210 = vector.bitcast %and3A_209 : vector<16xi32> to vector<16xf32>
        %add3A_211 = arith.addf %add3A_176, %bitcast3A_210 : vector<16xf32>
        %mul3A_212 = arith.constant 8 : i32
        %mul3A_213 = arith.muli %scan3A_107, %mul3A_212 : i32
        %add3A_214 = arith.constant 3 : i32
        %add3A_215 = arith.addi %mul3A_213, %add3A_214 : i32
        %add3A_216 = vector.broadcast %add3A_215 : i32 to vector<16xi32>
        %add3A_217 = arith.addi %mul3A_5, %add3A_216 : vector<16xi32>
        %gather3A_218 = tpu.vector_load_idx %arg9[%add3A_217] : memref<3200xi32, #tpu.memory_space<vmem>>[vector<16xi32>], vector<16xi32>,
        %and3A_219 = arith.constant 65535 : i32
        %and3A_220 = vector.broadcast %and3A_219 : i32 to vector<16xi32>
        %and3A_221 = arith.andi %gather3A_218, %and3A_220 : vector<16xi32>
        %shift_right_logical3A_222 = arith.constant 16 : i32
        %shift_right_logical3A_223 = vector.broadcast %shift_right_logical3A_222 : i32 to vector<16xi32>
        %shift_right_logical3A_224 = arith.shrui %gather3A_218, %shift_right_logical3A_223 : vector<16xi32>
        %gather3A_225 = tpu.vector_load_idx %arg7[%and3A_221] : memref<1024xi32, #tpu.memory_space<vmem>>[vector<16xi32>], vector<16xi32>,
        %gather3A_226 = tpu.vector_load_idx %arg7[%shift_right_logical3A_224] : memref<1024xi32, #tpu.memory_space<vmem>>[vector<16xi32>], vector<16xi32>,
        %shift_left3A_227 = arith.constant 16 : i32
        %shift_left3A_228 = vector.broadcast %shift_left3A_227 : i32 to vector<16xi32>
        %shift_left3A_229 = arith.shli %gather3A_225, %shift_left3A_228 : vector<16xi32>
        %bitcast3A_230 = vector.bitcast %shift_left3A_229 : vector<16xi32> to vector<16xf32>
        %add3A_231 = arith.addf %add3A_196, %bitcast3A_230 : vector<16xf32>
        %and3A_232 = arith.constant -65536 : i32
        %and3A_233 = vector.broadcast %and3A_232 : i32 to vector<16xi32>
        %and3A_234 = arith.andi %gather3A_225, %and3A_233 : vector<16xi32>
        %bitcast3A_235 = vector.bitcast %and3A_234 : vector<16xi32> to vector<16xf32>
        %add3A_236 = arith.addf %add3A_201, %bitcast3A_235 : vector<16xf32>
        %shift_left3A_237 = arith.constant 16 : i32
        %shift_left3A_238 = vector.broadcast %shift_left3A_237 : i32 to vector<16xi32>
        %shift_left3A_239 = arith.shli %gather3A_226, %shift_left3A_238 : vector<16xi32>
        %bitcast3A_240 = vector.bitcast %shift_left3A_239 : vector<16xi32> to vector<16xf32>
        %add3A_241 = arith.addf %add3A_206, %bitcast3A_240 : vector<16xf32>
        %and3A_242 = arith.constant -65536 : i32
        %and3A_243 = vector.broadcast %and3A_242 : i32 to vector<16xi32>
        %and3A_244 = arith.andi %gather3A_226, %and3A_243 : vector<16xi32>
        %bitcast3A_245 = vector.bitcast %and3A_244 : vector<16xi32> to vector<16xf32>
        %add3A_246 = arith.addf %add3A_211, %bitcast3A_245 : vector<16xf32>
        %mul3A_247 = arith.constant 8 : i32
        %mul3A_248 = arith.muli %scan3A_107, %mul3A_247 : i32
        %add3A_249 = arith.constant 4 : i32
        %add3A_250 = arith.addi %mul3A_248, %add3A_249 : i32
        %add3A_251 = vector.broadcast %add3A_250 : i32 to vector<16xi32>
        %add3A_252 = arith.addi %mul3A_5, %add3A_251 : vector<16xi32>
        %gather3A_253 = tpu.vector_load_idx %arg9[%add3A_252] : memref<3200xi32, #tpu.memory_space<vmem>>[vector<16xi32>], vector<16xi32>,
        %and3A_254 = arith.constant 65535 : i32
        %and3A_255 = vector.broadcast %and3A_254 : i32 to vector<16xi32>
        %and3A_256 = arith.andi %gather3A_253, %and3A_255 : vector<16xi32>
        %shift_right_logical3A_257 = arith.constant 16 : i32
        %shift_right_logical3A_258 = vector.broadcast %shift_right_logical3A_257 : i32 to vector<16xi32>
        %shift_right_logical3A_259 = arith.shrui %gather3A_253, %shift_right_logical3A_258 : vector<16xi32>
        %gather3A_260 = tpu.vector_load_idx %arg7[%and3A_256] : memref<1024xi32, #tpu.memory_space<vmem>>[vector<16xi32>], vector<16xi32>,
        %gather3A_261 = tpu.vector_load_idx %arg7[%shift_right_logical3A_259] : memref<1024xi32, #tpu.memory_space<vmem>>[vector<16xi32>], vector<16xi32>,
        %shift_left3A_262 = arith.constant 16 : i32
        %shift_left3A_263 = vector.broadcast %shift_left3A_262 : i32 to vector<16xi32>
        %shift_left3A_264 = arith.shli %gather3A_260, %shift_left3A_263 : vector<16xi32>
        %bitcast3A_265 = vector.bitcast %shift_left3A_264 : vector<16xi32> to vector<16xf32>
        %add3A_266 = arith.addf %add3A_231, %bitcast3A_265 : vector<16xf32>
        %and3A_267 = arith.constant -65536 : i32
        %and3A_268 = vector.broadcast %and3A_267 : i32 to vector<16xi32>
        %and3A_269 = arith.andi %gather3A_260, %and3A_268 : vector<16xi32>
        %bitcast3A_270 = vector.bitcast %and3A_269 : vector<16xi32> to vector<16xf32>
        %add3A_271 = arith.addf %add3A_236, %bitcast3A_270 : vector<16xf32>
        %shift_left3A_272 = arith.constant 16 : i32
        %shift_left3A_273 = vector.broadcast %shift_left3A_272 : i32 to vector<16xi32>
        %shift_left3A_274 = arith.shli %gather3A_261, %shift_left3A_273 : vector<16xi32>
        %bitcast3A_275 = vector.bitcast %shift_left3A_274 : vector<16xi32> to vector<16xf32>
        %add3A_276 = arith.addf %add3A_241, %bitcast3A_275 : vector<16xf32>
        %and3A_277 = arith.constant -65536 : i32
        %and3A_278 = vector.broadcast %and3A_277 : i32 to vector<16xi32>
        %and3A_279 = arith.andi %gather3A_261, %and3A_278 : vector<16xi32>
        %bitcast3A_280 = vector.bitcast %and3A_279 : vector<16xi32> to vector<16xf32>
        %add3A_281 = arith.addf %add3A_246, %bitcast3A_280 : vector<16xf32>
        %mul3A_282 = arith.constant 8 : i32
        %mul3A_283 = arith.muli %scan3A_107, %mul3A_282 : i32
        %add3A_284 = arith.constant 5 : i32
        %add3A_285 = arith.addi %mul3A_283, %add3A_284 : i32
        %add3A_286 = vector.broadcast %add3A_285 : i32 to vector<16xi32>
        %add3A_287 = arith.addi %mul3A_5, %add3A_286 : vector<16xi32>
        %gather3A_288 = tpu.vector_load_idx %arg9[%add3A_287] : memref<3200xi32, #tpu.memory_space<vmem>>[vector<16xi32>], vector<16xi32>,
        %and3A_289 = arith.constant 65535 : i32
        %and3A_290 = vector.broadcast %and3A_289 : i32 to vector<16xi32>
        %and3A_291 = arith.andi %gather3A_288, %and3A_290 : vector<16xi32>
        %shift_right_logical3A_292 = arith.constant 16 : i32
        %shift_right_logical3A_293 = vector.broadcast %shift_right_logical3A_292 : i32 to vector<16xi32>
        %shift_right_logical3A_294 = arith.shrui %gather3A_288, %shift_right_logical3A_293 : vector<16xi32>
        %gather3A_295 = tpu.vector_load_idx %arg7[%and3A_291] : memref<1024xi32, #tpu.memory_space<vmem>>[vector<16xi32>], vector<16xi32>,
        %gather3A_296 = tpu.vector_load_idx %arg7[%shift_right_logical3A_294] : memref<1024xi32, #tpu.memory_space<vmem>>[vector<16xi32>], vector<16xi32>,
        %shift_left3A_297 = arith.constant 16 : i32
        %shift_left3A_298 = vector.broadcast %shift_left3A_297 : i32 to vector<16xi32>
        %shift_left3A_299 = arith.shli %gather3A_295, %shift_left3A_298 : vector<16xi32>
        %bitcast3A_300 = vector.bitcast %shift_left3A_299 : vector<16xi32> to vector<16xf32>
        %add3A_301 = arith.addf %add3A_266, %bitcast3A_300 : vector<16xf32>
        %and3A_302 = arith.constant -65536 : i32
        %and3A_303 = vector.broadcast %and3A_302 : i32 to vector<16xi32>
        %and3A_304 = arith.andi %gather3A_295, %and3A_303 : vector<16xi32>
        %bitcast3A_305 = vector.bitcast %and3A_304 : vector<16xi32> to vector<16xf32>
        %add3A_306 = arith.addf %add3A_271, %bitcast3A_305 : vector<16xf32>
        %shift_left3A_307 = arith.constant 16 : i32
        %shift_left3A_308 = vector.broadcast %shift_left3A_307 : i32 to vector<16xi32>
        %shift_left3A_309 = arith.shli %gather3A_296, %shift_left3A_308 : vector<16xi32>
        %bitcast3A_310 = vector.bitcast %shift_left3A_309 : vector<16xi32> to vector<16xf32>
        %add3A_311 = arith.addf %add3A_276, %bitcast3A_310 : vector<16xf32>
        %and3A_312 = arith.constant -65536 : i32
        %and3A_313 = vector.broadcast %and3A_312 : i32 to vector<16xi32>
        %and3A_314 = arith.andi %gather3A_296, %and3A_313 : vector<16xi32>
        %bitcast3A_315 = vector.bitcast %and3A_314 : vector<16xi32> to vector<16xf32>
        %add3A_316 = arith.addf %add3A_281, %bitcast3A_315 : vector<16xf32>
        %mul3A_317 = arith.constant 8 : i32
        %mul3A_318 = arith.muli %scan3A_107, %mul3A_317 : i32
        %add3A_319 = arith.constant 6 : i32
        %add3A_320 = arith.addi %mul3A_318, %add3A_319 : i32
        %add3A_321 = vector.broadcast %add3A_320 : i32 to vector<16xi32>
        %add3A_322 = arith.addi %mul3A_5, %add3A_321 : vector<16xi32>
        %gather3A_323 = tpu.vector_load_idx %arg9[%add3A_322] : memref<3200xi32, #tpu.memory_space<vmem>>[vector<16xi32>], vector<16xi32>,
        %and3A_324 = arith.constant 65535 : i32
        %and3A_325 = vector.broadcast %and3A_324 : i32 to vector<16xi32>
        %and3A_326 = arith.andi %gather3A_323, %and3A_325 : vector<16xi32>
        %shift_right_logical3A_327 = arith.constant 16 : i32
        %shift_right_logical3A_328 = vector.broadcast %shift_right_logical3A_327 : i32 to vector<16xi32>
        %shift_right_logical3A_329 = arith.shrui %gather3A_323, %shift_right_logical3A_328 : vector<16xi32>
        %gather3A_330 = tpu.vector_load_idx %arg7[%and3A_326] : memref<1024xi32, #tpu.memory_space<vmem>>[vector<16xi32>], vector<16xi32>,
        %gather3A_331 = tpu.vector_load_idx %arg7[%shift_right_logical3A_329] : memref<1024xi32, #tpu.memory_space<vmem>>[vector<16xi32>], vector<16xi32>,
        %shift_left3A_332 = arith.constant 16 : i32
        %shift_left3A_333 = vector.broadcast %shift_left3A_332 : i32 to vector<16xi32>
        %shift_left3A_334 = arith.shli %gather3A_330, %shift_left3A_333 : vector<16xi32>
        %bitcast3A_335 = vector.bitcast %shift_left3A_334 : vector<16xi32> to vector<16xf32>
        %add3A_336 = arith.addf %add3A_301, %bitcast3A_335 : vector<16xf32>
        %and3A_337 = arith.constant -65536 : i32
        %and3A_338 = vector.broadcast %and3A_337 : i32 to vector<16xi32>
        %and3A_339 = arith.andi %gather3A_330, %and3A_338 : vector<16xi32>
        %bitcast3A_340 = vector.bitcast %and3A_339 : vector<16xi32> to vector<16xf32>
        %add3A_341 = arith.addf %add3A_306, %bitcast3A_340 : vector<16xf32>
        %shift_left3A_342 = arith.constant 16 : i32
        %shift_left3A_343 = vector.broadcast %shift_left3A_342 : i32 to vector<16xi32>
        %shift_left3A_344 = arith.shli %gather3A_331, %shift_left3A_343 : vector<16xi32>
        %bitcast3A_345 = vector.bitcast %shift_left3A_344 : vector<16xi32> to vector<16xf32>
        %add3A_346 = arith.addf %add3A_311, %bitcast3A_345 : vector<16xf32>
        %and3A_347 = arith.constant -65536 : i32
        %and3A_348 = vector.broadcast %and3A_347 : i32 to vector<16xi32>
        %and3A_349 = arith.andi %gather3A_331, %and3A_348 : vector<16xi32>
        %bitcast3A_350 = vector.bitcast %and3A_349 : vector<16xi32> to vector<16xf32>
        %add3A_351 = arith.addf %add3A_316, %bitcast3A_350 : vector<16xf32>
        %mul3A_352 = arith.constant 8 : i32
        %mul3A_353 = arith.muli %scan3A_107, %mul3A_352 : i32
        %add3A_354 = arith.constant 7 : i32
        %add3A_355 = arith.addi %mul3A_353, %add3A_354 : i32
        %add3A_356 = vector.broadcast %add3A_355 : i32 to vector<16xi32>
        %add3A_357 = arith.addi %mul3A_5, %add3A_356 : vector<16xi32>
        %gather3A_358 = tpu.vector_load_idx %arg9[%add3A_357] : memref<3200xi32, #tpu.memory_space<vmem>>[vector<16xi32>], vector<16xi32>,
        %and3A_359 = arith.constant 65535 : i32
        %and3A_360 = vector.broadcast %and3A_359 : i32 to vector<16xi32>
        %and3A_361 = arith.andi %gather3A_358, %and3A_360 : vector<16xi32>
        %shift_right_logical3A_362 = arith.constant 16 : i32
        %shift_right_logical3A_363 = vector.broadcast %shift_right_logical3A_362 : i32 to vector<16xi32>
        %shift_right_logical3A_364 = arith.shrui %gather3A_358, %shift_right_logical3A_363 : vector<16xi32>
        %gather3A_365 = tpu.vector_load_idx %arg7[%and3A_361] : memref<1024xi32, #tpu.memory_space<vmem>>[vector<16xi32>], vector<16xi32>,
        %gather3A_366 = tpu.vector_load_idx %arg7[%shift_right_logical3A_364] : memref<1024xi32, #tpu.memory_space<vmem>>[vector<16xi32>], vector<16xi32>,
        %shift_left3A_367 = arith.constant 16 : i32
        %shift_left3A_368 = vector.broadcast %shift_left3A_367 : i32 to vector<16xi32>
        %shift_left3A_369 = arith.shli %gather3A_365, %shift_left3A_368 : vector<16xi32>
        %bitcast3A_370 = vector.bitcast %shift_left3A_369 : vector<16xi32> to vector<16xf32>
        %add3A_371 = arith.addf %add3A_336, %bitcast3A_370 : vector<16xf32>
        %and3A_372 = arith.constant -65536 : i32
        %and3A_373 = vector.broadcast %and3A_372 : i32 to vector<16xi32>
        %and3A_374 = arith.andi %gather3A_365, %and3A_373 : vector<16xi32>
        %bitcast3A_375 = vector.bitcast %and3A_374 : vector<16xi32> to vector<16xf32>
        %add3A_376 = arith.addf %add3A_341, %bitcast3A_375 : vector<16xf32>
        %shift_left3A_377 = arith.constant 16 : i32
        %shift_left3A_378 = vector.broadcast %shift_left3A_377 : i32 to vector<16xi32>
        %shift_left3A_379 = arith.shli %gather3A_366, %shift_left3A_378 : vector<16xi32>
        %bitcast3A_380 = vector.bitcast %shift_left3A_379 : vector<16xi32> to vector<16xf32>
        %add3A_381 = arith.addf %add3A_346, %bitcast3A_380 : vector<16xf32>
        %and3A_382 = arith.constant -65536 : i32
        %and3A_383 = vector.broadcast %and3A_382 : i32 to vector<16xi32>
        %and3A_384 = arith.andi %gather3A_366, %and3A_383 : vector<16xi32>
        %bitcast3A_385 = vector.bitcast %and3A_384 : vector<16xi32> to vector<16xf32>
        %add3A_386 = arith.addf %add3A_351, %bitcast3A_385 : vector<16xf32>
        scf.yield %add3A_371, %add3A_376, %add3A_381, %add3A_386 : vector<16xf32>, vector<16xf32>, vector<16xf32>, vector<16xf32>
      }
      %scan3A_90 = arith.constant 25 : i32
      %mul3A_91 = arith.constant 16 : i32
      %mul3A_92 = arith.muli %add3A_82, %mul3A_91 : i32
      %swap3A_93 = arith.index_cast %mul3A_92 : i32 to index
      %swap3A_94 = tpu.vector_load %arg10[%swap3A_93] {strides = array<i32>} : memref<256xf32, #tpu.memory_space<vmem>>, vector<16xf32>,
      tpu.vector_store %arg10[%swap3A_93], %scan3A_89#0 {strides = array<i32>} : memref<256xf32, #tpu.memory_space<vmem>>, vector<16xf32>,
      %mul3A_95 = arith.constant 16 : i32
      %mul3A_96 = arith.muli %add3A_82, %mul3A_95 : i32
      %swap3A_97 = arith.index_cast %mul3A_96 : i32 to index
      %swap3A_98 = tpu.vector_load %arg11[%swap3A_97] {strides = array<i32>} : memref<256xf32, #tpu.memory_space<vmem>>, vector<16xf32>,
      tpu.vector_store %arg11[%swap3A_97], %scan3A_89#1 {strides = array<i32>} : memref<256xf32, #tpu.memory_space<vmem>>, vector<16xf32>,
      %mul3A_99 = arith.constant 16 : i32
      %mul3A_100 = arith.muli %add3A_82, %mul3A_99 : i32
      %swap3A_101 = arith.index_cast %mul3A_100 : i32 to index
      %swap3A_102 = tpu.vector_load %arg12[%swap3A_101] {strides = array<i32>} : memref<256xf32, #tpu.memory_space<vmem>>, vector<16xf32>,
      tpu.vector_store %arg12[%swap3A_101], %scan3A_89#2 {strides = array<i32>} : memref<256xf32, #tpu.memory_space<vmem>>, vector<16xf32>,
      %mul3A_103 = arith.constant 16 : i32
      %mul3A_104 = arith.muli %add3A_82, %mul3A_103 : i32
      %swap3A_105 = arith.index_cast %mul3A_104 : i32 to index
      %swap3A_106 = tpu.vector_load %arg13[%swap3A_105] {strides = array<i32>} : memref<256xf32, #tpu.memory_space<vmem>>, vector<16xf32>,
      tpu.vector_store %arg13[%swap3A_105], %scan3A_89#3 {strides = array<i32>} : memref<256xf32, #tpu.memory_space<vmem>>, vector<16xf32>,
    }
    %scan3A_19 = arith.constant 8 : i32
    %dma_wait3A = arith.constant 0 : i32
    %dma_wait3A_20 = tpu.memref_slice %arg2[%dma_wait3A] : memref<1638400xi32, #tpu.memory_space<hbm>> -> memref<3200xi32, #tpu.memory_space<hbm>>
    %dma_wait3A_21 = arith.constant 0 : i32
    %dma_wait3A_22 = tpu.memref_slice %arg2[%dma_wait3A_21] : memref<1638400xi32, #tpu.memory_space<hbm>> -> memref<3200xi32, #tpu.memory_space<hbm>>
    tpu.wait_dma2 semaphore(%arg14 : memref<!tpu.dma_semaphore, #tpu.memory_space<semaphore_mem>>) src(%dma_wait3A_22 : memref<3200xi32, #tpu.memory_space<hbm>>) dst(%arg8 : memref<3200xi32, #tpu.memory_space<vmem>>)
    %mul3A_23 = arith.constant 256 : i32
    %mul3A_24 = arith.muli %add3A, %mul3A_23 : i32
    "tpu.region"() ({
      %run_scoped3A = tpu.sem_alloc : memref<!tpu.dma_semaphore, #tpu.memory_space<semaphore_mem>>
      %dma_start3A_29 = tpu.memref_slice %arg4[%mul3A_24] : memref<16384xf32, #tpu.memory_space<hbm>> -> memref<256xf32, #tpu.memory_space<hbm>>
      %dma_start3A_30 = tpu.memref_slice %arg4[%mul3A_24] : memref<16384xf32, #tpu.memory_space<hbm>> -> memref<256xf32, #tpu.memory_space<hbm>>
      tpu.enqueue_dma source(%arg10 : memref<256xf32, #tpu.memory_space<vmem>>) target(%dma_start3A_30 : memref<256xf32, #tpu.memory_space<hbm>>) target_semaphore(%run_scoped3A : memref<!tpu.dma_semaphore, #tpu.memory_space<semaphore_mem>>)
      %dma_wait3A_31 = tpu.memref_slice %arg4[%mul3A_24] : memref<16384xf32, #tpu.memory_space<hbm>> -> memref<256xf32, #tpu.memory_space<hbm>>
      %dma_wait3A_32 = tpu.memref_slice %arg4[%mul3A_24] : memref<16384xf32, #tpu.memory_space<hbm>> -> memref<256xf32, #tpu.memory_space<hbm>>
      tpu.wait_dma2 semaphore(%run_scoped3A : memref<!tpu.dma_semaphore, #tpu.memory_space<semaphore_mem>>) src(%arg10 : memref<256xf32, #tpu.memory_space<vmem>>) dst(%dma_wait3A_32 : memref<256xf32, #tpu.memory_space<hbm>>)
      tpu.yield
    }) : () -> ()
    "tpu.region"() ({
      %run_scoped3A = tpu.sem_alloc : memref<!tpu.dma_semaphore, #tpu.memory_space<semaphore_mem>>
      %dma_start3A_29 = tpu.memref_slice %arg5[%mul3A_24] : memref<16384xf32, #tpu.memory_space<hbm>> -> memref<256xf32, #tpu.memory_space<hbm>>
      %dma_start3A_30 = tpu.memref_slice %arg5[%mul3A_24] : memref<16384xf32, #tpu.memory_space<hbm>> -> memref<256xf32, #tpu.memory_space<hbm>>
      tpu.enqueue_dma source(%arg11 : memref<256xf32, #tpu.memory_space<vmem>>) target(%dma_start3A_30 : memref<256xf32, #tpu.memory_space<hbm>>) target_semaphore(%run_scoped3A : memref<!tpu.dma_semaphore, #tpu.memory_space<semaphore_mem>>)
      %dma_wait3A_31 = tpu.memref_slice %arg5[%mul3A_24] : memref<16384xf32, #tpu.memory_space<hbm>> -> memref<256xf32, #tpu.memory_space<hbm>>
      %dma_wait3A_32 = tpu.memref_slice %arg5[%mul3A_24] : memref<16384xf32, #tpu.memory_space<hbm>> -> memref<256xf32, #tpu.memory_space<hbm>>
      tpu.wait_dma2 semaphore(%run_scoped3A : memref<!tpu.dma_semaphore, #tpu.memory_space<semaphore_mem>>) src(%arg11 : memref<256xf32, #tpu.memory_space<vmem>>) dst(%dma_wait3A_32 : memref<256xf32, #tpu.memory_space<hbm>>)
      tpu.yield
    }) : () -> ()
    %add3A_25 = arith.constant 8192 : i32
    %add3A_26 = arith.addi %add3A_25, %mul3A_24 : i32
    "tpu.region"() ({
      %run_scoped3A = tpu.sem_alloc : memref<!tpu.dma_semaphore, #tpu.memory_space<semaphore_mem>>
      %dma_start3A_29 = tpu.memref_slice %arg4[%add3A_26] : memref<16384xf32, #tpu.memory_space<hbm>> -> memref<256xf32, #tpu.memory_space<hbm>>
      %dma_start3A_30 = tpu.memref_slice %arg4[%add3A_26] : memref<16384xf32, #tpu.memory_space<hbm>> -> memref<256xf32, #tpu.memory_space<hbm>>
      tpu.enqueue_dma source(%arg12 : memref<256xf32, #tpu.memory_space<vmem>>) target(%dma_start3A_30 : memref<256xf32, #tpu.memory_space<hbm>>) target_semaphore(%run_scoped3A : memref<!tpu.dma_semaphore, #tpu.memory_space<semaphore_mem>>)
      %dma_wait3A_31 = tpu.memref_slice %arg4[%add3A_26] : memref<16384xf32, #tpu.memory_space<hbm>> -> memref<256xf32, #tpu.memory_space<hbm>>
      %dma_wait3A_32 = tpu.memref_slice %arg4[%add3A_26] : memref<16384xf32, #tpu.memory_space<hbm>> -> memref<256xf32, #tpu.memory_space<hbm>>
      tpu.wait_dma2 semaphore(%run_scoped3A : memref<!tpu.dma_semaphore, #tpu.memory_space<semaphore_mem>>) src(%arg12 : memref<256xf32, #tpu.memory_space<vmem>>) dst(%dma_wait3A_32 : memref<256xf32, #tpu.memory_space<hbm>>)
      tpu.yield
    }) : () -> ()
    %add3A_27 = arith.constant 8192 : i32
    %add3A_28 = arith.addi %add3A_27, %mul3A_24 : i32
    "tpu.region"() ({
      %run_scoped3A = tpu.sem_alloc : memref<!tpu.dma_semaphore, #tpu.memory_space<semaphore_mem>>
      %dma_start3A_29 = tpu.memref_slice %arg5[%add3A_28] : memref<16384xf32, #tpu.memory_space<hbm>> -> memref<256xf32, #tpu.memory_space<hbm>>
      %dma_start3A_30 = tpu.memref_slice %arg5[%add3A_28] : memref<16384xf32, #tpu.memory_space<hbm>> -> memref<256xf32, #tpu.memory_space<hbm>>
      tpu.enqueue_dma source(%arg13 : memref<256xf32, #tpu.memory_space<vmem>>) target(%dma_start3A_30 : memref<256xf32, #tpu.memory_space<hbm>>) target_semaphore(%run_scoped3A : memref<!tpu.dma_semaphore, #tpu.memory_space<semaphore_mem>>)
      %dma_wait3A_31 = tpu.memref_slice %arg5[%add3A_28] : memref<16384xf32, #tpu.memory_space<hbm>> -> memref<256xf32, #tpu.memory_space<hbm>>
      %dma_wait3A_32 = tpu.memref_slice %arg5[%add3A_28] : memref<16384xf32, #tpu.memory_space<hbm>> -> memref<256xf32, #tpu.memory_space<hbm>>
      tpu.wait_dma2 semaphore(%run_scoped3A : memref<!tpu.dma_semaphore, #tpu.memory_space<semaphore_mem>>) src(%arg13 : memref<256xf32, #tpu.memory_space<vmem>>) dst(%dma_wait3A_32 : memref<256xf32, #tpu.memory_space<hbm>>)
      tpu.yield
    }) : () -> ()
    return
  }
}

module attributes {stable_mosaic.version = 14 : i64} {
  func.func @_scores_body(%arg0: memref<8x128xf32, #tpu.memory_space<vmem>>, %arg1: memref<1024x128xf32, #tpu.memory_space<vmem>>, %arg2: memref<8x1024xf32, #tpu.memory_space<vmem>>) attributes {dimension_semantics = [], scalar_prefetch = 0 : i64, scratch_operands = 0 : i64, tpu.core_type = #tpu.core_type<tc>} {
    %get3A = arith.constant 0 : index
    %get3A_0 = arith.constant 0 : index
    %get3A_1 = vector.load %arg0[%get3A, %get3A_0] : memref<8x128xf32, #tpu.memory_space<vmem>>, vector<8x128xf32>
    %get3A_2 = arith.constant 0 : index
    %get3A_3 = arith.constant 0 : index
    %get3A_4 = vector.load %arg1[%get3A_2, %get3A_3] : memref<1024x128xf32, #tpu.memory_space<vmem>>, vector<1024x128xf32>
    %dot_general3A = arith.constant dense<0.000000e+00> : vector<8x1024xf32>
    %dot_general3A_5 = tpu.matmul %get3A_1, %get3A_4, %dot_general3A {dimension_numbers = #tpu.dot_dimension_numbers<[1], [1], [0], [0], [0, 0, 1, 0], [], []>, precision = #tpu.contract_precision<fp32>, transpose_lhs_hint = false} : vector<8x128xf32>, vector<1024x128xf32>, vector<8x1024xf32> -> vector<8x1024xf32>
    %swap3A = arith.constant 0 : index
    %swap3A_6 = arith.constant 0 : index
    %swap3A_7 = vector.load %arg2[%swap3A, %swap3A_6] : memref<8x1024xf32, #tpu.memory_space<vmem>>, vector<8x1024xf32>
    tpu.vector_store %arg2[%swap3A, %swap3A_6], %dot_general3A_5 {strides = array<i32>} : memref<8x1024xf32, #tpu.memory_space<vmem>>, vector<8x1024xf32>,
    return
  }
}

module attributes {stable_mosaic.version = 14 : i64} {
  func.func @_lsm_body(%arg0: memref<128x128xf32, #tpu.memory_space<vmem>>, %arg1: memref<128x128xf32, #tpu.memory_space<vmem>>, %arg2: memref<2xf32, #tpu.memory_space<smem>>, %arg3: memref<128x128xf32, #tpu.memory_space<vmem>>, %arg4: memref<128x128xf32, #tpu.memory_space<vmem>>) attributes {dimension_semantics = [], scalar_prefetch = 0 : i64, scratch_operands = 0 : i64, tpu.core_type = #tpu.core_type<tc>} {
    %get3A = arith.constant 0 : index
    %get3A_0 = arith.constant 0 : index
    %get3A_1 = vector.load %arg0[%get3A, %get3A_0] : memref<128x128xf32, #tpu.memory_space<vmem>>, vector<128x128xf32>
    %mul3A = arith.constant 5.000000e-03 : f32
    %mul3A_2 = vector.broadcast %mul3A : f32 to vector<128x128xf32>
    %mul3A_3 = arith.mulf %get3A_1, %mul3A_2 : vector<128x128xf32>
    %get3A_4 = arith.constant 0 : index
    %get3A_5 = memref.load %arg2[%get3A_4] : memref<2xf32, #tpu.memory_space<smem>>
    %add3A = vector.broadcast %get3A_5 : f32 to vector<128x128xf32>
    %add3A_6 = arith.addf %mul3A_3, %add3A : vector<128x128xf32>
    %get3A_7 = arith.constant 0 : index
    %get3A_8 = arith.constant 0 : index
    %get3A_9 = vector.load %arg1[%get3A_7, %get3A_8] : memref<128x128xf32, #tpu.memory_space<vmem>>, vector<128x128xf32>
    %mul3A_10 = arith.constant 5.000000e-03 : f32
    %mul3A_11 = vector.broadcast %mul3A_10 : f32 to vector<128x128xf32>
    %mul3A_12 = arith.mulf %get3A_9, %mul3A_11 : vector<128x128xf32>
    %get3A_13 = arith.constant 1 : index
    %get3A_14 = memref.load %arg2[%get3A_13] : memref<2xf32, #tpu.memory_space<smem>>
    %add3A_15 = vector.broadcast %get3A_14 : f32 to vector<128x128xf32>
    %add3A_16 = arith.addf %mul3A_12, %add3A_15 : vector<128x128xf32>
    %max3A = arith.maximumf %add3A_6, %add3A_16 : vector<128x128xf32>
    %sub3A = arith.subf %add3A_6, %max3A : vector<128x128xf32>
    %exp3A = math.exp %sub3A : vector<128x128xf32>
    %sub3A_17 = arith.subf %add3A_16, %max3A : vector<128x128xf32>
    %exp3A_18 = math.exp %sub3A_17 : vector<128x128xf32>
    %add3A_19 = arith.addf %exp3A, %exp3A_18 : vector<128x128xf32>
    %log3A = math.log %add3A_19 : vector<128x128xf32>
    %add3A_20 = arith.addf %max3A, %log3A : vector<128x128xf32>
    %sub3A_21 = arith.subf %add3A_6, %add3A_20 : vector<128x128xf32>
    %swap3A = arith.constant 0 : index
    %swap3A_22 = arith.constant 0 : index
    %swap3A_23 = vector.load %arg3[%swap3A, %swap3A_22] : memref<128x128xf32, #tpu.memory_space<vmem>>, vector<128x128xf32>
    tpu.vector_store %arg3[%swap3A, %swap3A_22], %sub3A_21 {strides = array<i32>} : memref<128x128xf32, #tpu.memory_space<vmem>>, vector<128x128xf32>,
    %sub3A_24 = arith.subf %add3A_16, %add3A_20 : vector<128x128xf32>
    %swap3A_25 = arith.constant 0 : index
    %swap3A_26 = arith.constant 0 : index
    %swap3A_27 = vector.load %arg4[%swap3A_25, %swap3A_26] : memref<128x128xf32, #tpu.memory_space<vmem>>, vector<128x128xf32>
    tpu.vector_store %arg4[%swap3A_25, %swap3A_26], %sub3A_24 {strides = array<i32>} : memref<128x128xf32, #tpu.memory_space<vmem>>, vector<128x128xf32>,
    return
  }
}

</mosaic_0001>

<sc_bundles>
// kernel: kernel.5.cloned.1.call-start
scs
__scs_entry_jumppad:
0x0: {  	(pc) =	sbr.rel $0x88, $3  }
0x1: {  	(tag) =	ssettag $0x0;
	lr =	simm.s32 $0x1  }
0x2: {  	[smem:$0x3F9D] =	sst lr;
	_ =	strace $0xD0000000  }
0x3: {  	_ = 	snop  }
0x4: {  	_ = 	snop  }
0x5: {  	_ = 	snop  }
0x6: {  	_ = 	snop  }
0x7: {  	_ = 	snop  }
__scs_overlays_trampoline_lowered:
0x8: {  	[smem:$0x3FAC] =	sst s0  }
0x9: {  	[smem:$0x3FAD] =	sst s1  }
0xa: {  	[smem:$0x3FAE] =	sst s2  }
0xb: {  	[smem:$0x3FAF] =	sst s3  }
0xc: {  	[smem:$0x3FB0] =	sst s4  }
0xd: {  	[smem:$0x3FB1] =	sst s5  }
0xe: {  	[smem:$0x3FB2] =	sst s6  }
0xf: {  	[smem:$0x3FB3] =	sst s7  }
0x10: {  	[smem:$0x3FB4] =	sst s8  }
0x11: {  	[smem:$0x3FB5] =	sst s9;
	s0 =	simm.s32 @!p0 $0x0  }
0x12: {  	s1 =	sld [smem:$0x3F9B];
	s0 =	simm.s32 @p0 $0x1  }
0x13: {  	[smem:$0x3FB6] =	sst s0;
	s0 =	simm.s32 @!p1 $0x0  }
0x14: {  	s2 =	sld [smem:$0x3F9A];
	s0 =	simm.s32 @p1 $0x1  }
0x15: {  	[smem:$0x3FB7] =	sst s0;
	s0 =	simm.s32 @!p2 $0x0  }
0x16: {  	s3 =	sld [smem:$0x3FDB];
	s0 =	simm.s32 @p2 $0x1  }
0x17: {  	s4 =	simm.s32 $0x1BF5;
	[smem:$0x3FB9] =	sst s0  }
0x18: {  	s0 =	sld [smem:$0x3F9C];
	_ =	swait.ge [sflag:s4], $0x0  }
0x19: {  	s7 =	sld [smem:$0x3F9D]  }
0x1a: {  	s8 =	sadd.s32 $0xFFFFE003, lr  }
0x1b: {  	s9 =	sadd.s32 $0xFFFFFEF7, lr;
	s5 =	simm.s32 $0xFFFFFFFF;
	p2 =	slt.u32 s8, $0xFFFFF086  }
0x1c: {  	p1 =	slt.u32 s9, $0xF7A;
	s5 =	simm.s32 @!p2 $0x0  }
0x1d: {  	s5 =	simm.s32 @p1 $0x1;
	p0 =	seq.s32 s7, s2  }
0x1e: {  	s7 =	smul.u32 @!p0 $0xF7A, s2;
	p2 =	seq.s32 @!p0 s5, $0x0  }
0x1f: {  	s9 =	smul.u32 $0xF7A, s1;
	s8 =	simm.s32 @!p0 $0x1BF5;
	p2 =	por !p2, p0  }
0x20: {  	[sflag:s8] =	ssyncset.s32 @!p0 $0xFFFFF086;
	s6 =	sadd.s32 @!p0 s3, s7;
	s7 =	simm.s32 @!p0 $0x108  }
0x21: {  	s3 =	sadd.s32 s3, s9;
	s6 =	sadd.s32 @!p0 $0x88, s6;
	s7 =	simm.s32 @p2 $0x1082  }
0x22: {  	[simem:s7], [sflag:s8] =	dma.local @!p0 [hbm:s6], $0xF7A  }
0x23: {  	s9 =	sor.u32 $0xD0000000, s2;
	s6 =	simm.s32 $0x108;
	_ =	swait.ge @!p0 [sflag:s8], $0x0  }
0x24: {  	s3 =	sadd.s32 $0x88, s3;
	s6 =	simm.s32 @!p1 $0x1082;
	[sflag:s4] =	ssyncset.s32 $0xFFFFF086  }
0x25: {  	[simem:s6], [sflag:s4] =	dma.local [hbm:s3], $0xF7A  }
0x26: {  	[smem:$0x3F9D] =	sst s1;
	(tag) =	ssettag s2;
	_ =	strace s9  }
0x27: {  	s1 =	sld [smem:$0x3FAD]  }
0x28: {  	s2 =	sld [smem:$0x3FAE]  }
0x29: {  	s4 =	sld [smem:$0x3FB0]  }
0x2a: {  	p0 =	seq.s32 s5, $0x0;
	s5 =	sld [smem:$0x3FB1]  }
0x2b: {  	s6 =	sld [smem:$0x3FB2]  }
0x2c: {  	s7 =	sld [smem:$0x3FB3]  }
0x2d: {  	s3 =	simm.s32 $0x108;
	s8 =	sld [smem:$0x3FB4]  }
0x2e: {  	s3 =	simm.s32 @!p0 $0x1082;
	s9 =	sld [smem:$0x3FB5]  }
0x2f: {  	lr =	sadd.s32 s0, s3;
	s0 =	sld [smem:$0x3FAC]  }
0x30: {  	s3 =	sld [smem:$0x3FAF]  }
0x31: {  	[smem:$0x3FB8] =	sst s10  }
0x32: {  	s10 =	sld [smem:$0x3FB6];
	_ =	sdelay $0x3  }
0x33: {  	p0 =	seq.s32 s10, $0x1;
	s10 =	sld [smem:$0x3FB8];
	_ =	sdelay $0x3  }
0x34: {  	[smem:$0x3FB8] =	sst s10  }
0x35: {  	s10 =	sld [smem:$0x3FB7];
	_ =	sdelay $0x3  }
0x36: {  	p1 =	seq.s32 s10, $0x1;
	s10 =	sld [smem:$0x3FB8];
	_ =	sdelay $0x3  }
0x37: {  	[smem:$0x3FB8] =	sst s10  }
0x38: {  	s10 =	sld [smem:$0x3FB9]  }
0x39: {  	_ = 	snop;
	(pc) =	sbr.ind lr, $3  }
0x3a: {  	_ = 	snop  }
0x3b: {  	_ = 	snop  }
0x3c: {  	p2 =	seq.s32 s10, $0x1;
	s10 =	sld [smem:$0x3FB8]  }
0x3d: {  	_ =	shalt  }
0x3e: {  	_ =	shalt  }
0x3f: {  	_ =	shalt  }
0x40: {  	_ =	shalt  }
0x41: {  	_ =	shalt  }
0x42: {  	_ =	shalt  }
0x43: {  	_ =	shalt  }
0x44: {  	_ =	shalt  }
0x45: {  	_ =	shalt  }
0x46: {  	_ =	shalt  }
0x47: {  	_ =	shalt  }
0x48: {  	_ =	shalt  }
0x49: {  	_ =	shalt  }
0x4a: {  	_ =	shalt  }
0x4b: {  	_ =	shalt  }
0x4c: {  	_ =	shalt  }
0x4d: {  	_ =	shalt  }
0x4e: {  	_ =	shalt  }
0x4f: {  	_ =	shalt  }
0x50: {  	_ =	shalt  }
0x51: {  	_ =	shalt  }
0x52: {  	_ =	shalt  }
0x53: {  	_ =	shalt  }
0x54: {  	_ =	shalt  }
0x55: {  	_ =	shalt  }
0x56: {  	_ =	shalt  }
0x57: {  	_ =	shalt  }
0x58: {  	_ =	shalt  }
0x59: {  	_ =	shalt  }
0x5a: {  	_ =	shalt  }
0x5b: {  	_ =	shalt  }
0x5c: {  	_ =	shalt  }
0x5d: {  	_ =	shalt  }
0x5e: {  	_ =	shalt  }
0x5f: {  	_ =	shalt  }
0x60: {  	_ =	shalt  }
0x61: {  	_ =	shalt  }
0x62: {  	_ =	shalt  }
0x63: {  	_ =	shalt  }
0x64: {  	_ =	shalt  }
0x65: {  	_ =	shalt  }
0x66: {  	_ =	shalt  }
0x67: {  	_ =	shalt  }
0x68: {  	_ =	shalt  }
0x69: {  	_ =	shalt  }
0x6a: {  	_ =	shalt  }
0x6b: {  	_ =	shalt  }
0x6c: {  	_ =	shalt  }
0x6d: {  	_ =	shalt  }
0x6e: {  	_ =	shalt  }
0x6f: {  	_ =	shalt  }
0x70: {  	_ =	shalt  }
0x71: {  	_ =	shalt  }
0x72: {  	_ =	shalt  }
0x73: {  	_ =	shalt  }
0x74: {  	_ =	shalt  }
0x75: {  	_ =	shalt  }
0x76: {  	_ =	shalt  }
0x77: {  	_ =	shalt  }
0x78: {  	_ =	shalt  }
0x79: {  	_ =	shalt  }
0x7a: {  	_ =	shalt  }
0x7b: {  	_ =	shalt  }
0x7c: {  	_ =	shalt  }
0x7d: {  	_ =	shalt  }
0x7e: {  	_ =	shalt  }
0x7f: {  	_ =	shalt  }
0x80: {  	_ =	shalt  }
0x81: {  	_ =	shalt  }
0x82: {  	_ =	shalt  }
0x83: {  	_ =	shalt  }
0x84: {  	_ =	shalt  }
0x85: {  	_ =	shalt  }
0x86: {  	_ =	shalt  }
0x87: {  	_ =	shalt  }
.Lfunc_end0:
.L_simem_size_0:
called_computation_lowered:
.L_overlay_start_0:
0x88: {  	s2 =	sld [smem:$0x3FD9]  }
0x89: {  	s3 =	sld [smem:$0x3FFE];
	_ =	sdelay $0x1  }
0x8a: {  	s1 =	srdreg.scid  }
0x8b: {  	s0 =	sand.u32 $0x1, s1  }
0x8c: {  	s17 =	sshll.u32 s0, $0xA;
	s2 =	sadd.s32 s3, s2  }
0x8d: {  	s2 =	sadd.s32 s2, s17  }
0x8e: {  	[smem:$0x3FC4] =	sst s2  }
0x8f: {  	_ = 	snop  }
0x90: {  	s2 =	sld [smem:$0x3FD0];
	(tm) =	ssettm $0x1  }
0x91: {  	s18 =	sld [smem:$0x3FFB];
	_ =	sdelay $0x3  }
0x92: {  	_ =	strace s18  }
0x93: {  	s3 =	sld [smem:$0x3FFC];
	_ =	sdelay $0x3  }
0x94: {  	_ =	strace s3  }
0x95: {  	s3 =	sld [smem:$0x3FFD];
	_ =	sdelay $0x3  }
0x96: {  	_ =	strace s3  }
0x97: {  	_ =	strace $0x8FFFFFFF  }
0x98: {  	s19 =	sld [smem:$0x3FDB];
	_ =	sdelay $0x1  }
0x99: {  	s4 =	simm.s32 $_scs_section_size  }
0x9a: {  	s5 =	simm.s32 $_size__tile_overlayer_lowered;
	s6 =	simm.s32 $_tile_overlayer_lowered  }
0x9b: {  	s22 =	simm.s32 $0x1BFF;
	s21 =	sshll.u32 s6, $0x1;
	s3 =	sadd.s32 s4, s19  }
0x9c: {  	s7 =	simm.s32 $0x0;
	s20 =	sshll.u32 s5, $0x1;
	s5 =	sadd.s32 s21, s3  }
0x9d: {  	[timem:s7], [sflag:s22] =	dma.local [hbm:s5], s20  }
0x9e: {  	_ =	swait.ge [sflag:s22], s20  }
0x9f: {  	s4 =	ssub.s32 $0x0, s20;
	[sflag:s22] =	ssyncset.done $0x0  }
0xa0: {  	[sflag:s22] =	ssyncadd.s32 s4;
	_ =	sdelay $0x1  }
0xa1: {  	s23 =	simm.s32 $0x1B8B  }
0xa2: {  	_ =	swait.ge [sflag:s23], $0x1  }
0xa3: {  	[sflag:s23] =	ssyncset.done $0x0  }
0xa4: {  	s25 =	simm.s32 $0x1B8E;
	s24 =	sld [smem:$0x3FFE];
	[sflag:s23] =	ssyncadd.s32 $0xFFFFFFFF  }
0xa5: {  	s26 =	simm.s32 $execute0_lowered;
	[smem:$0x3FD2] =	sst s25  }
0xa6: {  	s5 =	sshll.u32 s26, $0x1;
	_ =	strace $0x80000046;
	[dreg:$0x1] =	wrdreg $0xFFFFFFFF  }
0xa7: {  	s28 =	simm.s32 $_size_execute0_lowered;
	s3 =	sadd.s32 s3, s5;
	[dreg:$0x0] =	wrdreg $0x0  }
0xa8: {  	s5 =	sshll.u32 s28, $0x1;
	[dreg:$0x2] =	wrdreg s3  }
0xa9: {  	[dreg:$0x3] =	wrdreg s5  }
0xaa: {  	[dreg:$0x4] =	wrdreg $0xC0  }
0xab: {  	_ =	task [dreg:s7], $0x5FFFF  }
0xac: {  	[dreg:$0x1] =	wrdreg $0xFFFFFFFF  }
0xad: {  	[dreg:$0x0] =	wrdreg $0x60  }
0xae: {  	[dreg:$0x2] =	wrdreg s24  }
0xaf: {  	[dreg:$0x3] =	wrdreg s2  }
0xb0: {  	[dreg:$0x4] =	wrdreg $0x9  }
0xb1: {  	_ =	task.clear_ibuf [dreg:s7], $0x5FFFF;
	_ =	strace $0x90000046  }
0xb2: {  	s29 =	simm.s32 $0x9;
	_ =	strace $0x80000048  }
0xb3: {  	_ =	swait.ge [sflag:s29], $0x1  }
0xb4: {  	[sflag:s29] =	ssyncadd.s32 $0xFFFFFFFF  }
0xb5: {  	_ =	strace $0x90000048  }
0xb6: {  	_ =	sfence  }
0xb7: {  	s30 =	sld [smem:$0x0];
	_ =	sdelay $0x2  }
0xb8: {  	s31 =	sshll.u32 s1, $0xD;
	s1 =	sshrl.u32 s1, $0x2  }
0xb9: {  	s3 =	sand.u32 $0x4000, s31;
	s1 =	sadd.s32 s1, s30  }
0xba: {  	s0 =	sor.u32 s3, s0;
	s1 =	sshll.u32 s1, $0x11  }
0xbb: {  	s0 =	sor.u32 s1, s0  }
0xbc: {  	s0 =	sadd.s32 $0x8F2B, s0  }
0xbd: {  	[sflag:s0] =	ssyncadd.remote.s32 $0x1  }
0xbe: {  	_ =	sfence.sel $0xFFFF  }
0xbf: {  	[dreg:$0x0] =	wrdreg $0xFFFFFFFF;
	(pc) =	sbr.abs _section_cstart, $3  }
0xc0: {  	[dreg:$0x1] =	wrdreg $0xFFFFFFFF  }
0xc1: {  	_ =	task.clear_ibuf [dreg:s7], $0x2FFFF;
	_ =	strace $0x9FFFFFFF  }
0xc2: {  	(tm) =	ssettm $0x7FFFFFFF  }
0xc3: {  	_ =	shalt  }
tec
execute0_lowered:
.L_overlay_start_1:
0x0: {  	(tag) =	ssettag $0x1  }
0x1: {  	s6 =	rddreg [dreg:$0x0]  }
0x2: {  	s10 =	rddreg [dreg:$0x1]  }
0x3: {  	s1 =	srdreg.scid;
	s2 =	simm.s32 $0x0;
	s0 =	stileid.u32  }
0x4: {  	s14 =	simm.s32 $0xC00;
	s15 =	simm.s32 $0x1880;
	s16 =	simm.s32 $0x1  }
0x5: {  	s17 =	simm.s32 $0x800;
	s18 =	simm.s32 $0x2;
	s19 =	simm.s32 $0x2500  }
0x6: {  	s20 =	simm.s32 $0x2600;
	s21 =	simm.s32 $0x2700;
	s22 =	simm.s32 $0x2800  }
0x7: {  	s23 =	simm.s32 $0x0;
	s7 =	sand.u32 $0x1, s1;
	[smem:$0x7FF] =	sst s2  }
0x8: {  	s4 =	sadd.s32 $0x1400, s6;
	s5 =	sadd.s32 $0x33400, s6;
	s3 =	sshll.u32 s7, $0x4  }
0x9: {  	s11 =	sadd.s32 $0x33600, s6;
	s7 =	ssub.s32 $0x2, s7;
	s8 =	sor.u32 s0, s3  }
0xa: {  	s30 =	sshrl.u32 s7, $0x1;
	s3 =	smul.u32 $0xC800, s8;
	s31 =	sshll.u32 s8, $0x5  }
0xb: {  	_ =	strace $0x80000047;
	s12 =	ssub.s32 s7, s30;
	s8 =	sadd.s32 s10, s31  }
0xc: {  	s13 =	sor.u32 $0x400, s31;
	s12 =	smax.u32 s12, $0x1;
	s9 =	sshrl.u32 s3, $0x3  }
0xd: {  	v0 =	vlaneseq.u32;
	s7 =	sadd.s32 $0x1900, s3;
	s10 =	sadd.s32 s10, s13;
	s6 =	sadd.s32 s4, s9  }
0xe: {  	v0 =	vmul.u32 $0xC8, v0;
	s9 =	sadd.s32 s11, s31;
	s11 =	sadd.s32 s11, s13;
	s13 =	simm.s32 $0x3  }
.LBB2_1:
0xf: {  	[tilespmem:s2], [sflag:$0x3] =	stream.linear.gather [hbm4b:s5+s2], $0x800, $0x38;
	[tilespmem:$0x2900] =	vst v63  }
0x10: {  	_ =	swait.ge [sflag:s13], $0x800  }
0x11: {  	[sflag:s13] =	ssyncset.done $0x0  }
0x12: {  	s24 =	simm.s32 $0x0;
	[sflag:s13] =	ssyncadd.s32 $0xFFFFF800  }
0x13: {  	v1 =	vld [tilespmem:s24+$0x0]  }
0x14: {  	v2 =	vld [tilespmem:s24+$0x400];
	_ =	sdelay $0x1  }
0x15: {  	s25 =	simm.s32 $0x40  }
.LBB2_2:
0x16: {  	p0 =	sne.s32 s25, $0xFC0  }
.Ltmp0:
0x17: {  	s26 =	sshra.s32 s25, $0x2;
	(pc) =	sbr.rel @p0 .LBB2_2-.Ltmp0, $4  }
0x18: {  	s25 =	sadd.s32 $0x40, s25;
	v3 =	vadd.s32 $0x8000, v1;
	v1 =	vld [tilespmem:s26+$0x0];
	v4 =	vadd.s32 $0x8000, v2  }
0x19: {  	v3 =	vshrl.u32 v3, $0x10;
	v2 =	vld [tilespmem:s26+$0x400];
	v4 =	vand.u32 $0xFFFF0000, v4  }
0x1a: {  	v3 =	vor.u32 v3, v4  }
0x1b: {  	[tilespmem:s24+$0x800] =	vst v3;
	s24 =	smov.u32 s26  }
0x1c: {  	_ =	sdelay $0x1  }
0x1d: {  	v1 =	vadd.s32 $0x8000, v1;
	v2 =	vadd.s32 $0x8000, v2  }
0x1e: {  	v1 =	vshrl.u32 v1, $0x10;
	v2 =	vand.u32 $0xFFFF0000, v2  }
0x1f: {  	v1 =	vor.u32 v1, v2  }
0x20: {  	[tilespmem:s24+$0x800] =	vst v1;
	s24 =	simm.s32 $0x0  }
0x21: {  	[tilespmem:s14], [sflag:$0x1] =	stream.linear.gather [hbm4b:s6+s24], $0xC80, $0x38;
	[tilespmem:$0x2900] =	vst v63  }
.LBB2_4:
0x22: {  	s25 =	sshllo.u32 s24, $0x1  }
0x23: {  	s26 =	smul.u32 $0xC80, s25;
	_ =	sdelay $0x1  }
0x24: {  	s26 =	sadd.s32 s3, s26  }
0x25: {  	s28 =	simm.s32 $0x0;
	s26 =	sshrl.u32 s26, $0x3  }
0x26: {  	v1 =	vadd.s32 s28, v0;
	s28 =	simm.s32 $0x1;
	s26 =	sadd.s32 s4, s26  }
0x27: {  	[tilespmem:s15], [sflag:$0x2] =	stream.linear.gather [hbm4b:s26+s2], $0xC80, $0x38;
	[tilespmem:$0x2900] =	vst v63  }
0x28: {  	v2 =	vadd.s32 s28, v0;
	_ =	swait.ge [sflag:s16], $0xC80  }
0x29: {  	s30 =	simm.s32 $0x2;
	[sflag:s16] =	ssyncset.done $0x0  }
0x2a: {  	s31 =	simm.s32 $0x5;
	v3 =	vadd.s32 s30, v0;
	[sflag:s16] =	ssyncadd.s32 $0xFFFFF380  }
0x2b: {  	s0 =	simm.s32 $0x4;
	v4 =	vadd.s32 s31, v0;
	v1 =	vld.idx.msk [tilespmem:v1+s14+$0x0], $0xffff  }
0x2c: {  	s1 =	simm.s32 $0x3;
	v5 =	vadd.s32 s0, v0  }
0x2d: {  	v6 =	vadd.s32 s1, v0;
	s30 =	simm.s32 $0x6;
	v2 =	vld.idx.msk [tilespmem:v2+s14+$0x0], $0xffff  }
0x2e: {  	s31 =	simm.s32 $0x7;
	v7 =	vadd.s32 s30, v0  }
0x2f: {  	v8 =	vadd.s32 s31, v0;
	v3 =	vld.idx.msk [tilespmem:v3+s14+$0x0], $0xffff  }
0x30: {  	v4 =	vld.idx.msk [tilespmem:v4+s14+$0x0], $0xffff;
	v9 =	vand.u32 $0xFFFF, v1  }
0x31: {  	v5 =	vld.idx.msk [tilespmem:v5+s14+$0x0], $0xffff;
	v1 =	vshrl.u32 v1, $0x10  }
0x32: {  	v6 =	vld.idx.msk [tilespmem:v6+s14+$0x0], $0xffff;
	v10 =	vand.u32 $0xFFFF, v2  }
0x33: {  	v12 =	vld.idx.msk [tilespmem:v7+s14+$0x0], $0xffff;
	v2 =	vshrl.u32 v2, $0x10  }
0x34: {  	v8 =	vld.idx.msk [tilespmem:v8+s14+$0x0], $0xffff;
	v13 =	vand.u32 $0xFFFF, v3  }
0x35: {  	v3 =	vshrl.u32 v3, $0x10;
	v9 =	vld.idx.msk [tilespmem:v9+s17+$0x0], $0xffff  }
0x36: {  	v14 =	vshrl.u32 v5, $0x10;
	v15 =	vld.idx.msk [tilespmem:v1+s17+$0x0], $0xffff  }
0x37: {  	v17 =	vimm.f32 $0.0e+00;
	v7 =	vshrl.u32 v4, $0x10;
	v22 =	vand.u32 $0xFFFF, v5;
	v16 =	vld.idx.msk [tilespmem:v10+s17+$0x0], $0xffff  }
0x38: {  	v19 =	vshrl.u32 v6, $0x10;
	v20 =	vand.u32 $0xFFFF, v4;
	v11 =	vand.u32 $0xFFFF, v6;
	v21 =	vld.idx.msk [tilespmem:v2+s17+$0x0], $0xffff  }
0x39: {  	v6 =	vand.u32 $0xFFFF, v12;
	v5 =	vshrl.u32 v8, $0x10;
	v10 =	vshrl.u32 v12, $0x10;
	v13 =	vld.idx.msk [tilespmem:v13+s17+$0x0], $0xffff  }
0x3a: {  	v2 =	vand.u32 $0xFFFF, v8;
	v4 =	vld.idx.msk [tilespmem:v3+s17+$0x0], $0xffff;
	v18 =	vshll.u32 v9, $0x10;
	v3 =	vand.u32 $0xFFFF0000, v9  }
0x3b: {  	v1 =	vld.idx.msk [tilespmem:v14+s17+$0x0], $0xffff;
	v9 =	vshll.u32 v15, $0x10;
	v12 =	vand.u32 $0xFFFF0000, v15;
	v8 =	vadd.f32 v3, v17  }
0x3c: {  	v14 =	vand.u32 $0xFFFF0000, v16;
	v15 =	vld.idx.msk [tilespmem:v22+s17+$0x0], $0xffff;
	v9 =	vadd.f32 v9, v17;
	v12 =	vadd.f32 v12, v17  }
0x3d: {  	v3 =	vld.idx.msk [tilespmem:v19+s17+$0x0], $0xffff;
	v8 =	vadd.f32 v14, v8;
	v14 =	vshll.u32 v21, $0x10;
	v21 =	vand.u32 $0xFFFF0000, v21  }
0x3e: {  	s29 =	simm.s32 $0xF;
	s26 =	sshll.u32 s24, $0x1;
	v19 =	vadd.f32 v14, v9;
	v9 =	vadd.f32 v21, v12;
	v12 =	vand.u32 $0xFFFF0000, v13;
	v14 =	vld.idx.msk [tilespmem:v20+s17+$0x0], $0xffff  }
.LBB2_5:
0x3f: {  	s28 =	sadd.s32 $0xFFFFFFF9, s29  }
0x40: {  	s30 =	sadd.s32 $0xFFFFFFFA, s29;
	s31 =	sadd.s32 $0xFFFFFFFB, s29;
	v17 =	vadd.f32 v18, v17;
	v16 =	vshll.u32 v16, $0x10;
	v18 =	vshll.u32 v4, $0x10;
	v7 =	vld.idx.msk [tilespmem:v7+s17+$0x0], $0xffff;
	s0 =	smov.u32 s29  }
0x41: {  	v20 =	vadd.s32 s28, v0;
	v21 =	vadd.s32 s30, v0;
	v22 =	vadd.s32 s31, v0;
	s30 =	sadd.s32 $0xFFFFFFFD, s0;
	s31 =	sadd.s32 $0xFFFFFFFE, s0;
	s28 =	sadd.s32 $0x8, s29;
	v11 =	vld.idx.msk [tilespmem:v11+s17+$0x0], $0xffff  }
0x42: {  	p0 =	sne.s32 s29, $0xC7;
	s1 =	sadd.s32 $0xFFFFFFFC, s0;
	v18 =	vadd.f32 v18, v19;
	v23 =	vadd.s32 s30, v0;
	v24 =	vadd.s32 s31, v0  }
0x43: {  	v25 =	vshll.u32 v3, $0x10;
	v19 =	vadd.s32 s1, v0;
	s1 =	sadd.s32 $0xFFFFFFFF, s0;
	v26 =	vand.u32 $0xFFFF0000, v15;
	v10 =	vld.idx.msk [tilespmem:v10+s17+$0x0], $0xffff  }
0x44: {  	v16 =	vadd.f32 v16, v17;
	v27 =	vadd.s32 s1, v0;
	v17 =	vadd.f32 v25, v18;
	v6 =	vld.idx.msk [tilespmem:v6+s17+$0x0], $0xffff  }
0x45: {  	v13 =	vshll.u32 v13, $0x10;
	v18 =	vshll.u32 v1, $0x10;
	v25 =	vand.u32 $0xFFFF0000, v14;
	v28 =	vld.idx.msk [tilespmem:v5+s17+$0x0], $0xffff  }
0x46: {  	v15 =	vshll.u32 v15, $0x10;
	v13 =	vadd.f32 v13, v16;
	v16 =	vadd.f32 v18, v17;
	v5 =	vld.idx.msk [tilespmem:v21+s14+$0x0], $0xffff  }
0x47: {  	v18 =	vshll.u32 v11, $0x10;
	v21 =	vshll.u32 v7, $0x10;
	v17 =	vld.idx.msk [tilespmem:v24+s14+$0x0], $0xffff  }
0x48: {  	v13 =	vadd.f32 v18, v13;
	v16 =	vadd.f32 v21, v16;
	v18 =	vand.u32 $0xFFFF0000, v7;
	v20 =	vld.idx.msk [tilespmem:v20+s14+$0x0], $0xffff  }
0x49: {  	v14 =	vshll.u32 v14, $0x10;
	v7 =	vshll.u32 v10, $0x10;
	v21 =	vld.idx.msk [tilespmem:v22+s14+$0x0], $0xffff;
	v22 =	vand.u32 $0xFFFF0000, v10  }
0x4a: {  	v10 =	vadd.f32 v15, v13;
	v13 =	vshll.u32 v6, $0x10;
	v7 =	vadd.f32 v7, v16;
	v23 =	vld.idx.msk [tilespmem:v23+s14+$0x0], $0xffff  }
0x4b: {  	v16 =	vadd.s32 s0, v0;
	v15 =	vld.idx.msk [tilespmem:v19+s14+$0x0], $0xffff;
	v19 =	vand.u32 $0xFFFF0000, v6;
	v6 =	vshll.u32 v28, $0x10  }
0x4c: {  	v4 =	vand.u32 $0xFFFF0000, v4;
	v24 =	vshrl.u32 v5, $0x10;
	v29 =	vadd.f32 v6, v7  }
0x4d: {  	v5 =	vand.u32 $0xFFFF, v5;
	v7 =	vshrl.u32 v17, $0x10;
	v30 =	vand.u32 $0xFFFF, v17;
	v31 =	vld.idx.msk [tilespmem:v2+s17+$0x0], $0xffff  }
0x4e: {  	v8 =	vadd.f32 v12, v8;
	v2 =	vshrl.u32 v20, $0x10;
	v6 =	vand.u32 $0xFFFF, v20;
	v17 =	vld.idx.msk [tilespmem:v27+s14+$0x0], $0xffff  }
0x4f: {  	v4 =	vadd.f32 v4, v9;
	v9 =	vand.u32 $0xFFFF0000, v11;
	v10 =	vadd.f32 v14, v10  }
0x50: {  	v3 =	vand.u32 $0xFFFF0000, v3;
	v8 =	vadd.f32 v9, v8;
	v12 =	vshrl.u32 v23, $0x10;
	v14 =	vld.idx.msk [tilespmem:v16+s14+$0x0], $0xffff  }
0x51: {  	v3 =	vadd.f32 v3, v4;
	v9 =	vshrl.u32 v15, $0x10;
	v11 =	vand.u32 $0xFFFF, v15  }
0x52: {  	v1 =	vand.u32 $0xFFFF0000, v1;
	v8 =	vadd.f32 v26, v8;
	v4 =	vand.u32 $0xFFFF, v21  }
0x53: {  	v1 =	vadd.f32 v1, v3;
	v3 =	vadd.f32 v13, v10;
	v20 =	vshrl.u32 v21, $0x10;
	v15 =	vld.idx.msk [tilespmem:v6+s17+$0x0], $0xffff  }
0x54: {  	v6 =	vand.u32 $0xFFFF, v17;
	v21 =	vld.idx.msk [tilespmem:v2+s17+$0x0], $0xffff;
	v2 =	vadd.f32 v25, v8;
	v8 =	vshll.u32 v31, $0x10  }
0x55: {  	v1 =	vadd.f32 v18, v1;
	v10 =	vshrl.u32 v17, $0x10;
	v16 =	vld.idx.msk [tilespmem:v5+s17+$0x0], $0xffff;
	v17 =	vadd.f32 v8, v3  }
0x56: {  	v8 =	vand.u32 $0xFFFF, v23;
	v5 =	vshrl.u32 v14, $0x10;
	v24 =	vld.idx.msk [tilespmem:v24+s17+$0x0], $0xffff;
	v3 =	vadd.f32 v19, v2  }
0x57: {  	v2 =	vand.u32 $0xFFFF, v14;
	v14 =	vadd.f32 v22, v1;
	v1 =	vand.u32 $0xFFFF0000, v31;
	v13 =	vld.idx.msk [tilespmem:v4+s17+$0x0], $0xffff  }
0x58: {  	v19 =	vand.u32 $0xFFFF0000, v28;
	v4 =	vld.idx.msk [tilespmem:v20+s17+$0x0], $0xffff;
	v3 =	vadd.f32 v1, v3  }
.Ltmp1:
0x59: {  	v18 =	vshll.u32 v15, $0x10;
	v15 =	vand.u32 $0xFFFF0000, v15;
	v1 =	vld.idx.msk [tilespmem:v12+s17+$0x0], $0xffff;
	v12 =	vadd.f32 v19, v14;
	(pc) =	sbr.rel @p0 .LBB2_5-.Ltmp1, $4  }
0x5a: {  	v19 =	vand.u32 $0xFFFF0000, v21;
	v14 =	vadd.f32 v15, v3;
	v15 =	vshll.u32 v21, $0x10;
	v3 =	vld.idx.msk [tilespmem:v9+s17+$0x0], $0xffff  }
0x5b: {  	v9 =	vadd.f32 v15, v29;
	v12 =	vadd.f32 v19, v12;
	v19 =	vand.u32 $0xFFFF0000, v16;
	v15 =	vld.idx.msk [tilespmem:v8+s17+$0x0], $0xffff  }
0x5c: {  	v20 =	vand.u32 $0xFFFF0000, v24;
	v8 =	vadd.f32 v19, v14;
	v14 =	vshll.u32 v24, $0x10  }
0x5d: {  	s29 =	smov.u32 s28;
	v19 =	vadd.f32 v14, v9;
	v9 =	vadd.f32 v20, v12;
	v12 =	vand.u32 $0xFFFF0000, v13;
	v14 =	vld.idx.msk [tilespmem:v30+s17+$0x0], $0xffff  }
0x5e: {  	_ =	sdelay $0x2  }
0x5f: {  	v17 =	vadd.f32 v18, v17;
	v18 =	vshll.u32 v4, $0x10  }
0x60: {  	v11 =	vld.idx.msk [tilespmem:v11+s17+$0x0], $0xffff;
	v16 =	vshll.u32 v16, $0x10;
	v13 =	vshll.u32 v13, $0x10;
	v8 =	vadd.f32 v12, v8  }
0x61: {  	v4 =	vand.u32 $0xFFFF0000, v4;
	v18 =	vadd.f32 v18, v19;
	v19 =	vshll.u32 v3, $0x10  }
0x62: {  	v7 =	vld.idx.msk [tilespmem:v7+s17+$0x0], $0xffff;
	v4 =	vadd.f32 v4, v9;
	v3 =	vand.u32 $0xFFFF0000, v3;
	v16 =	vadd.f32 v16, v17  }
0x63: {  	v17 =	vadd.f32 v19, v18;
	v18 =	vand.u32 $0xFFFF0000, v15;
	v19 =	vshll.u32 v1, $0x10  }
0x64: {  	v15 =	vshll.u32 v15, $0x10;
	v3 =	vadd.f32 v3, v4;
	v13 =	vadd.f32 v13, v16  }
0x65: {  	v10 =	vld.idx.msk [tilespmem:v10+s17+$0x0], $0xffff;
	v17 =	vadd.f32 v19, v17;
	v19 =	vshll.u32 v11, $0x10;
	v11 =	vand.u32 $0xFFFF0000, v11  }
0x66: {  	v6 =	vld.idx.msk [tilespmem:v6+s17+$0x0], $0xffff;
	v1 =	vand.u32 $0xFFFF0000, v1;
	v13 =	vadd.f32 v19, v13;
	v8 =	vadd.f32 v11, v8  }
0x67: {  	v5 =	vld.idx.msk [tilespmem:v5+s17+$0x0], $0xffff;
	v16 =	vand.u32 $0xFFFF0000, v14;
	v20 =	vshll.u32 v7, $0x10;
	v1 =	vadd.f32 v1, v3  }
0x68: {  	v2 =	vld.idx.msk [tilespmem:v2+s17+$0x0], $0xffff;
	v7 =	vand.u32 $0xFFFF0000, v7;
	v9 =	vadd.f32 v15, v13;
	v4 =	vadd.f32 v18, v8  }
0x69: {  	v11 =	vshll.u32 v14, $0x10;
	v12 =	vadd.f32 v20, v17;
	v1 =	vadd.f32 v7, v1  }
0x6a: {  	v9 =	vadd.f32 v11, v9;
	v3 =	vadd.f32 v16, v4;
	v4 =	vand.u32 $0xFFFF0000, v10  }
0x6b: {  	v8 =	vshll.u32 v10, $0x10;
	v11 =	vshll.u32 v6, $0x10;
	v1 =	vadd.f32 v4, v1  }
0x6c: {  	v6 =	vand.u32 $0xFFFF0000, v6;
	v4 =	vand.u32 $0xFFFF0000, v5;
	v9 =	vadd.f32 v11, v9  }
0x6d: {  	s0 =	smin.u32 s26, $0xD;
	v10 =	vshll.u32 v2, $0x10;
	v3 =	vadd.f32 v6, v3;
	v1 =	vadd.f32 v4, v1  }
0x6e: {  	s1 =	sshll.u32 s24, $0x5;
	s0 =	smul.u32 $0xC80, s0;
	v2 =	vand.u32 $0xFFFF0000, v2;
	v6 =	vadd.f32 v8, v12;
	v7 =	vadd.f32 v10, v9  }
0x6f: {  	v8 =	vshll.u32 v5, $0x10;
	v2 =	vadd.f32 v2, v3;
	[tilespmem:s1+$0x2800] =	vst v1  }
0x70: {  	s0 =	sadd.s32 s0, s7;
	v3 =	vadd.f32 v8, v6;
	[tilespmem:s1+$0x2500] =	vst v7  }
0x71: {  	s29 =	simm.s32 $0x0;
	s0 =	sshrl.u32 s0, $0x3;
	[tilespmem:s1+$0x2600] =	vst v2  }
0x72: {  	s30 =	simm.s32 $0x1;
	s0 =	sadd.s32 s4, s0;
	v1 =	vadd.s32 s29, v0;
	[tilespmem:s1+$0x2700] =	vst v3  }
0x73: {  	[tilespmem:s14], [sflag:$0x1] =	stream.linear.gather [hbm4b:s0+s2], $0xC80, $0x38;
	[tilespmem:$0x2900] =	vst v63  }
0x74: {  	v2 =	vadd.s32 s30, v0;
	_ =	swait.ge [sflag:s18], $0xC80  }
0x75: {  	s31 =	simm.s32 $0x2;
	[sflag:s18] =	ssyncset.done $0x0  }
0x76: {  	s26 =	simm.s32 $0x4;
	v3 =	vadd.s32 s31, v0;
	[sflag:s18] =	ssyncadd.s32 $0xFFFFF380  }
0x77: {  	v5 =	vadd.s32 s26, v0;
	s29 =	simm.s32 $0x3;
	v1 =	vld.idx.msk [tilespmem:v1+s15+$0x0], $0xffff  }
0x78: {  	s1 =	simm.s32 $0x5;
	v6 =	vadd.s32 s29, v0  }
0x79: {  	s30 =	simm.s32 $0x6;
	v4 =	vadd.s32 s1, v0;
	v2 =	vld.idx.msk [tilespmem:v2+s15+$0x0], $0xffff  }
0x7a: {  	s31 =	simm.s32 $0x7;
	v7 =	vadd.s32 s30, v0  }
0x7b: {  	v8 =	vadd.s32 s31, v0;
	v3 =	vld.idx.msk [tilespmem:v3+s15+$0x0], $0xffff  }
0x7c: {  	v5 =	vld.idx.msk [tilespmem:v5+s15+$0x0], $0xffff;
	v9 =	vand.u32 $0xFFFF, v1  }
0x7d: {  	v6 =	vld.idx.msk [tilespmem:v6+s15+$0x0], $0xffff;
	v1 =	vshrl.u32 v1, $0x10  }
0x7e: {  	v4 =	vld.idx.msk [tilespmem:v4+s15+$0x0], $0xffff;
	v10 =	vand.u32 $0xFFFF, v2  }
0x7f: {  	v12 =	vld.idx.msk [tilespmem:v7+s15+$0x0], $0xffff;
	v2 =	vshrl.u32 v2, $0x10  }
0x80: {  	v8 =	vld.idx.msk [tilespmem:v8+s15+$0x0], $0xffff;
	v13 =	vand.u32 $0xFFFF, v3  }
0x81: {  	v3 =	vshrl.u32 v3, $0x10;
	v9 =	vld.idx.msk [tilespmem:v9+s17+$0x0], $0xffff  }
0x82: {  	v14 =	vshrl.u32 v5, $0x10;
	v15 =	vld.idx.msk [tilespmem:v1+s17+$0x0], $0xffff  }
0x83: {  	v17 =	vimm.f32 $0.0e+00;
	v19 =	vshrl.u32 v6, $0x10;
	v22 =	vand.u32 $0xFFFF, v5;
	v16 =	vld.idx.msk [tilespmem:v10+s17+$0x0], $0xffff  }
0x84: {  	v11 =	vand.u32 $0xFFFF, v6;
	v7 =	vshrl.u32 v4, $0x10;
	v20 =	vand.u32 $0xFFFF, v4;
	v21 =	vld.idx.msk [tilespmem:v2+s17+$0x0], $0xffff  }
0x85: {  	v6 =	vand.u32 $0xFFFF, v12;
	v5 =	vshrl.u32 v8, $0x10;
	v10 =	vshrl.u32 v12, $0x10;
	v13 =	vld.idx.msk [tilespmem:v13+s17+$0x0], $0xffff  }
0x86: {  	v2 =	vand.u32 $0xFFFF, v8;
	v4 =	vld.idx.msk [tilespmem:v3+s17+$0x0], $0xffff;
	v18 =	vshll.u32 v9, $0x10;
	v3 =	vand.u32 $0xFFFF0000, v9  }
0x87: {  	v1 =	vld.idx.msk [tilespmem:v14+s17+$0x0], $0xffff;
	v9 =	vshll.u32 v15, $0x10;
	v12 =	vand.u32 $0xFFFF0000, v15;
	v8 =	vadd.f32 v3, v17  }
0x88: {  	v14 =	vand.u32 $0xFFFF0000, v16;
	v15 =	vld.idx.msk [tilespmem:v22+s17+$0x0], $0xffff;
	v9 =	vadd.f32 v9, v17;
	v12 =	vadd.f32 v12, v17  }
0x89: {  	v3 =	vld.idx.msk [tilespmem:v19+s17+$0x0], $0xffff;
	v8 =	vadd.f32 v14, v8;
	v14 =	vshll.u32 v21, $0x10;
	v21 =	vand.u32 $0xFFFF0000, v21  }
0x8a: {  	s28 =	simm.s32 $0xF;
	v19 =	vadd.f32 v14, v9;
	v9 =	vadd.f32 v21, v12;
	v12 =	vand.u32 $0xFFFF0000, v13;
	v14 =	vld.idx.msk [tilespmem:v20+s17+$0x0], $0xffff  }
.LBB2_7:
0x8b: {  	s0 =	sadd.s32 $0xFFFFFFF9, s28  }
0x8c: {  	s1 =	sadd.s32 $0xFFFFFFFA, s28;
	s26 =	sadd.s32 $0xFFFFFFFB, s28;
	v17 =	vadd.f32 v18, v17;
	v16 =	vshll.u32 v16, $0x10;
	v18 =	vshll.u32 v4, $0x10;
	v7 =	vld.idx.msk [tilespmem:v7+s17+$0x0], $0xffff;
	s29 =	smov.u32 s28  }
0x8d: {  	v20 =	vadd.s32 s0, v0;
	v21 =	vadd.s32 s1, v0;
	v22 =	vadd.s32 s26, v0;
	s0 =	sadd.s32 $0xFFFFFFFD, s29;
	s1 =	sadd.s32 $0xFFFFFFFE, s29;
	s26 =	sadd.s32 $0x8, s28;
	v11 =	vld.idx.msk [tilespmem:v11+s17+$0x0], $0xffff  }
0x8e: {  	p0 =	sne.s32 s28, $0xC7;
	s30 =	sadd.s32 $0xFFFFFFFC, s29;
	v18 =	vadd.f32 v18, v19;
	v23 =	vadd.s32 s0, v0;
	v24 =	vadd.s32 s1, v0  }
0x8f: {  	v25 =	vshll.u32 v3, $0x10;
	v19 =	vadd.s32 s30, v0;
	s0 =	sadd.s32 $0xFFFFFFFF, s29;
	v26 =	vand.u32 $0xFFFF0000, v15;
	v10 =	vld.idx.msk [tilespmem:v10+s17+$0x0], $0xffff  }
0x90: {  	v16 =	vadd.f32 v16, v17;
	v27 =	vadd.s32 s0, v0;
	v17 =	vadd.f32 v25, v18;
	v6 =	vld.idx.msk [tilespmem:v6+s17+$0x0], $0xffff  }
0x91: {  	v13 =	vshll.u32 v13, $0x10;
	v18 =	vshll.u32 v1, $0x10;
	v25 =	vand.u32 $0xFFFF0000, v14;
	v28 =	vld.idx.msk [tilespmem:v5+s17+$0x0], $0xffff  }
0x92: {  	v15 =	vshll.u32 v15, $0x10;
	v13 =	vadd.f32 v13, v16;
	v16 =	vadd.f32 v18, v17;
	v5 =	vld.idx.msk [tilespmem:v21+s15+$0x0], $0xffff  }
0x93: {  	v18 =	vshll.u32 v11, $0x10;
	v21 =	vshll.u32 v7, $0x10;
	v17 =	vld.idx.msk [tilespmem:v24+s15+$0x0], $0xffff  }
0x94: {  	v13 =	vadd.f32 v18, v13;
	v16 =	vadd.f32 v21, v16;
	v18 =	vand.u32 $0xFFFF0000, v7;
	v20 =	vld.idx.msk [tilespmem:v20+s15+$0x0], $0xffff  }
0x95: {  	v14 =	vshll.u32 v14, $0x10;
	v7 =	vshll.u32 v10, $0x10;
	v21 =	vld.idx.msk [tilespmem:v22+s15+$0x0], $0xffff;
	v22 =	vand.u32 $0xFFFF0000, v10  }
0x96: {  	v10 =	vadd.f32 v15, v13;
	v13 =	vshll.u32 v6, $0x10;
	v7 =	vadd.f32 v7, v16;
	v23 =	vld.idx.msk [tilespmem:v23+s15+$0x0], $0xffff  }
0x97: {  	v16 =	vadd.s32 s29, v0;
	v15 =	vld.idx.msk [tilespmem:v19+s15+$0x0], $0xffff;
	v19 =	vand.u32 $0xFFFF0000, v6;
	v6 =	vshll.u32 v28, $0x10  }
0x98: {  	v4 =	vand.u32 $0xFFFF0000, v4;
	v24 =	vshrl.u32 v5, $0x10;
	v29 =	vadd.f32 v6, v7  }
0x99: {  	v5 =	vand.u32 $0xFFFF, v5;
	v7 =	vshrl.u32 v17, $0x10;
	v30 =	vand.u32 $0xFFFF, v17;
	v31 =	vld.idx.msk [tilespmem:v2+s17+$0x0], $0xffff  }
0x9a: {  	v8 =	vadd.f32 v12, v8;
	v2 =	vshrl.u32 v20, $0x10;
	v6 =	vand.u32 $0xFFFF, v20;
	v17 =	vld.idx.msk [tilespmem:v27+s15+$0x0], $0xffff  }
0x9b: {  	v4 =	vadd.f32 v4, v9;
	v9 =	vand.u32 $0xFFFF0000, v11;
	v10 =	vadd.f32 v14, v10  }
0x9c: {  	v3 =	vand.u32 $0xFFFF0000, v3;
	v8 =	vadd.f32 v9, v8;
	v12 =	vshrl.u32 v23, $0x10;
	v14 =	vld.idx.msk [tilespmem:v16+s15+$0x0], $0xffff  }
0x9d: {  	v3 =	vadd.f32 v3, v4;
	v9 =	vshrl.u32 v15, $0x10;
	v11 =	vand.u32 $0xFFFF, v15  }
0x9e: {  	v1 =	vand.u32 $0xFFFF0000, v1;
	v8 =	vadd.f32 v26, v8;
	v4 =	vand.u32 $0xFFFF, v21  }
0x9f: {  	v1 =	vadd.f32 v1, v3;
	v3 =	vadd.f32 v13, v10;
	v20 =	vshrl.u32 v21, $0x10;
	v15 =	vld.idx.msk [tilespmem:v6+s17+$0x0], $0xffff  }
0xa0: {  	v6 =	vand.u32 $0xFFFF, v17;
	v21 =	vld.idx.msk [tilespmem:v2+s17+$0x0], $0xffff;
	v2 =	vadd.f32 v25, v8;
	v8 =	vshll.u32 v31, $0x10  }
0xa1: {  	v1 =	vadd.f32 v18, v1;
	v10 =	vshrl.u32 v17, $0x10;
	v16 =	vld.idx.msk [tilespmem:v5+s17+$0x0], $0xffff;
	v17 =	vadd.f32 v8, v3  }
0xa2: {  	v8 =	vand.u32 $0xFFFF, v23;
	v5 =	vshrl.u32 v14, $0x10;
	v24 =	vld.idx.msk [tilespmem:v24+s17+$0x0], $0xffff;
	v3 =	vadd.f32 v19, v2  }
0xa3: {  	v2 =	vand.u32 $0xFFFF, v14;
	v14 =	vadd.f32 v22, v1;
	v1 =	vand.u32 $0xFFFF0000, v31;
	v13 =	vld.idx.msk [tilespmem:v4+s17+$0x0], $0xffff  }
0xa4: {  	v19 =	vand.u32 $0xFFFF0000, v28;
	v4 =	vld.idx.msk [tilespmem:v20+s17+$0x0], $0xffff;
	v3 =	vadd.f32 v1, v3  }
.Ltmp2:
0xa5: {  	v18 =	vshll.u32 v15, $0x10;
	v15 =	vand.u32 $0xFFFF0000, v15;
	v1 =	vld.idx.msk [tilespmem:v12+s17+$0x0], $0xffff;
	v12 =	vadd.f32 v19, v14;
	(pc) =	sbr.rel @p0 .LBB2_7-.Ltmp2, $4  }
0xa6: {  	v19 =	vand.u32 $0xFFFF0000, v21;
	v14 =	vadd.f32 v15, v3;
	v15 =	vshll.u32 v21, $0x10;
	v3 =	vld.idx.msk [tilespmem:v9+s17+$0x0], $0xffff  }
0xa7: {  	v9 =	vadd.f32 v15, v29;
	v12 =	vadd.f32 v19, v12;
	v19 =	vand.u32 $0xFFFF0000, v16;
	v15 =	vld.idx.msk [tilespmem:v8+s17+$0x0], $0xffff  }
0xa8: {  	v20 =	vand.u32 $0xFFFF0000, v24;
	v8 =	vadd.f32 v19, v14;
	v14 =	vshll.u32 v24, $0x10  }
0xa9: {  	s28 =	smov.u32 s26;
	v19 =	vadd.f32 v14, v9;
	v9 =	vadd.f32 v20, v12;
	v12 =	vand.u32 $0xFFFF0000, v13;
	v14 =	vld.idx.msk [tilespmem:v30+s17+$0x0], $0xffff  }
0xaa: {  	_ =	sdelay $0x2  }
0xab: {  	v17 =	vadd.f32 v18, v17;
	v43 =	vshll.u32 v4, $0x10  }
0xac: {  	v11 =	vld.idx.msk [tilespmem:v11+s17+$0x0], $0xffff;
	v16 =	vshll.u32 v16, $0x10;
	v13 =	vshll.u32 v13, $0x10;
	v47 =	vshll.u32 v1, $0x10  }
0xad: {  	v8 =	vadd.f32 v12, v8;
	v51 =	vand.u32 $0xFFFF0000, v4;
	v1 =	vand.u32 $0xFFFF0000, v1  }
0xae: {  	v18 =	vadd.f32 v43, v19;
	v44 =	vshll.u32 v3, $0x10;
	v16 =	vadd.f32 v16, v17  }
0xaf: {  	v7 =	vld.idx.msk [tilespmem:v7+s17+$0x0], $0xffff;
	v4 =	vadd.f32 v51, v9;
	v3 =	vand.u32 $0xFFFF0000, v3;
	v46 =	vand.u32 $0xFFFF0000, v15  }
0xb0: {  	v10 =	vld.idx.msk [tilespmem:v10+s17+$0x0], $0xffff;
	v52 =	vshll.u32 v15, $0x10;
	v45 =	vadd.f32 v44, v18;
	v13 =	vadd.f32 v13, v16  }
0xb1: {  	v6 =	vld.idx.msk [tilespmem:v6+s17+$0x0], $0xffff;
	v3 =	vadd.f32 v3, v4;
	v48 =	vand.u32 $0xFFFF0000, v14;
	v49 =	vshll.u32 v11, $0x10  }
0xb2: {  	v17 =	vadd.f32 v47, v45;
	v11 =	vand.u32 $0xFFFF0000, v11;
	v13 =	vadd.f32 v49, v13  }
0xb3: {  	v5 =	vld.idx.msk [tilespmem:v5+s17+$0x0], $0xffff;
	v54 =	vshll.u32 v14, $0x10;
	v1 =	vadd.f32 v1, v3;
	v8 =	vadd.f32 v11, v8  }
0xb4: {  	v2 =	vld.idx.msk [tilespmem:v2+s17+$0x0], $0xffff;
	v20 =	vshll.u32 v7, $0x10;
	v7 =	vand.u32 $0xFFFF0000, v7;
	v53 =	vadd.f32 v52, v13  }
0xb5: {  	v56 =	vshll.u32 v10, $0x10;
	v1 =	vadd.f32 v7, v1;
	v55 =	vadd.f32 v46, v8  }
0xb6: {  	v57 =	vshll.u32 v6, $0x10;
	v58 =	vand.u32 $0xFFFF0000, v10;
	v9 =	vadd.f32 v54, v53  }
0xb7: {  	v6 =	vand.u32 $0xFFFF0000, v6;
	v1 =	vadd.f32 v58, v1;
	v3 =	vadd.f32 v48, v55  }
0xb8: {  	s24 =	sadd.s32 $0x1, s24;
	v63 =	vand.u32 $0xFFFF0000, v5;
	v50 =	vadd.f32 v20, v17;
	v9 =	vadd.f32 v57, v9  }
0xb9: {  	p0 =	sne.s32 s24, $0x8;
	v59 =	vshll.u32 v2, $0x10;
	v1 =	vadd.f32 v63, v1;
	v3 =	vadd.f32 v6, v3  }
.Ltmp3:
0xba: {  	s0 =	sshll.u32 s25, $0x4;
	v2 =	vand.u32 $0xFFFF0000, v2;
	v60 =	vadd.f32 v56, v50;
	v61 =	vadd.f32 v59, v9;
	(pc) =	sbr.rel @p0 .LBB2_4-.Ltmp3, $4  }
0xbb: {  	v62 =	vshll.u32 v5, $0x10;
	[tilespmem:s0+$0x2800] =	vst v1;
	v2 =	vadd.f32 v2, v3  }
0xbc: {  	v3 =	vadd.f32 v62, v60;
	[tilespmem:s0+$0x2500] =	vst v61  }
0xbd: {  	[tilespmem:s0+$0x2600] =	vst v2  }
0xbe: {  	[tilespmem:s0+$0x2700] =	vst v3  }
0xbf: {  	_ =	swait.ge [sflag:s16], $0xC80  }
0xc0: {  	[sflag:s16] =	ssyncset.done $0x0  }
0xc1: {  	[sflag:s16] =	ssyncadd.s32 $0xFFFFF380  }
0xc2: {  	[hbm4b:s8+s2] =	stream.linear.scatter [tilespmem:s19], [sflag:$0x3], $0x100, $0x38;
	[tilespmem:$0x2900] =	vst v63  }
0xc3: {  	_ =	swait.ge [sflag:s13], $0x100  }
0xc4: {  	[sflag:s13] =	ssyncset.done $0x0  }
0xc5: {  	[sflag:s13] =	ssyncadd.s32 $0xFFFFFF00  }
0xc6: {  	[hbm4b:s9+s2] =	stream.linear.scatter [tilespmem:s20], [sflag:$0x3], $0x100, $0x38;
	[tilespmem:$0x2900] =	vst v63  }
0xc7: {  	_ =	swait.ge [sflag:s13], $0x100  }
0xc8: {  	[sflag:s13] =	ssyncset.done $0x0  }
0xc9: {  	[sflag:s13] =	ssyncadd.s32 $0xFFFFFF00  }
0xca: {  	[hbm4b:s10+s2] =	stream.linear.scatter [tilespmem:s21], [sflag:$0x3], $0x100, $0x38;
	[tilespmem:$0x2900] =	vst v63  }
0xcb: {  	s23 =	sadd.s32 $0x1, s23;
	_ =	swait.ge [sflag:s13], $0x100  }
0xcc: {  	p0 =	sne.s32 s23, s12;
	[sflag:s13] =	ssyncset.done $0x0  }
.Ltmp4:
0xcd: {  	[sflag:s13] =	ssyncadd.s32 $0xFFFFFF00;
	(pc) =	sbr.rel @p0 .LBB2_1-.Ltmp4, $4  }
0xce: {  	[hbm4b:s11+s2] =	stream.linear.scatter [tilespmem:s22], [sflag:$0x3], $0x100, $0x38;
	[tilespmem:$0x2900] =	vst v63  }
0xcf: {  	_ =	swait.ge [sflag:s13], $0x100  }
0xd0: {  	[sflag:s13] =	ssyncset.done $0x0  }
0xd1: {  	[sflag:s13] =	ssyncadd.s32 $0xFFFFFF00  }
0xd2: {  	_ =	sfence.sel $0x180000  }
0xd3: {  	[bflag:$0x0] =	sbarrier.arrive $0xFFFF  }
0xd4: {  	_ =	strace $0x90000047  }
0xd5: {  	s0 =	stileid.u32;
	[bflag:$0x2] =	sbarrier.arrive $0xFFFF  }
0xd6: {  	p0 =	sne.s32 s0, $0x0;
	s0 =	rddreg [dreg:$0x2]  }
0xd7: {  	s0 =	sadd.s32 @!p0 $0x100000, s0  }
0xd8: {  	[sflag:s0] =	ssyncadd.tile.s32 @!p0 $0x1;
	_ =	shalt  }
.Lfunc_end2:
_tile_overlayer_lowered:
.L_overlay_start_2:
0xd9: {  	(tag) =	ssettag $0x2  }
0xda: {  	s0 =	rddreg [dreg:$0x0];
	s2 =	stileid.u32  }
0xdb: {  	s1 =	rddreg [dreg:$0x1];
	p0 =	sne.s32 s2, $0x0  }
0xdc: {  	s3 =	rddreg [dreg:$0x2];
	[bflag:$0x3] =	sbarrier.arrive $0xFFFF;
	s2 =	simm.s32 @!p0 $0x1C03  }
0xdd: {  	[timem:s3], [sflag:s2] =	dma.local @!p0 [hbm:s0], s1  }
0xde: {  	s0 =	simm.s32 @!p0 $0x3  }
0xdf: {  	_ =	swait.ge @!p0 [sflag:s0], s1  }
0xe0: {  	s1 =	ssub.s32 @!p0 $0x0, s1;
	[sflag:s0] =	ssyncset.done @!p0 $0x0  }
0xe1: {  	[sflag:s0] =	ssyncadd.s32 @!p0 s1  }
0xe2: {  	[bflag:$0x3] =	sbarrier.arrive $0xFFFF  }
0xe3: {  	_ =	shalt  }

</sc_bundles>
